<compile_context>
chip_gen: v7x
topology: tpu7x:2x2x1
jax: 0.10.2.dev20260603
libtpu: 0.0.44.dev20260713+nightly
codegen_flags: <defaults>
</compile_context>

<pallas_src>
import jax
import jax.numpy as jnp
from jax import lax
from jax.experimental import pallas as pl
from jax.experimental.pallas import tpu as pltpu, tpu_sc as plsc

_NC, _NS = 2, 16
_NW = _NC * _NS
_NBUF = 4
_J = 5


def _make_body(seq_len, d, chunks_per_w, gi):
    rows = 2 * seq_len
    def body(x_hbm, tok_hbm, pos_hbm, out_hbm,
             idxv, pos_v, gb0, gb1, gb2, gb3, *sems):
        gbufs = (gb0, gb1, gb2, gb3)
        isem = sems[:_NBUF]
        gsem = sems[_NBUF:2 * _NBUF]
        ssem = sems[2 * _NBUF:]
        wid = lax.axis_index("s") * _NC + lax.axis_index("c")
        seq0 = wid * chunks_per_w

        pltpu.sync_copy(pos_hbm, pos_v)

        def fire_idx(g, b):
            pltpu.async_copy(x_hbm.at[seq0 + g], idxv.at[b], isem[b])

        def wait_idx(b):
            pltpu.make_async_copy(x_hbm.at[0], idxv.at[b], isem[b]).wait()

        def fire_gather(b):
            for j in range(_J):
                pltpu.async_copy(
                    tok_hbm.at[idxv.at[b, pl.ds(j * gi, gi)]],
                    gbufs[b].at[pl.ds(j * gi, gi)],
                    gsem[b])

        def wait_gather(b):
            pltpu.make_async_copy(
                tok_hbm.at[pl.ds(0, rows)], gbufs[b], gsem[b]).wait()

        def add_pos(b):
            gb = gbufs[b]

            @pl.loop(0, seq_len)
            def _(r):
                for c in range(d // 16):
                    sl = pl.ds(c * 16, 16)
                    pv = pos_v[r, sl]
                    gb.at[r][sl] = gb[r, sl] + pv
                    gb.at[r + seq_len][sl] = gb[r + seq_len, sl] + pv

        def fire_store(g, b):
            pltpu.async_copy(
                gbufs[b],
                out_hbm.at[pl.ds((seq0 + g) * rows, rows)],
                ssem[b])

        def wait_store(b):
            pltpu.make_async_copy(
                gbufs[b], out_hbm.at[pl.ds(0, rows)], ssem[b]).wait()

        for b in range(_NBUF):
            fire_idx(b, b)

        @pl.loop(0, chunks_per_w, step=_NBUF)
        def _(g):
            for b in range(_NBUF):
                @pl.when(g > 0)
                def _():
                    wait_store(b)
                wait_idx(b)
                fire_gather(b)
            for b in range(_NBUF):
                wait_gather(b)
                add_pos(b)
                fire_store(g + b, b)
                nxt = g + b + _NBUF

                @pl.when(nxt < chunks_per_w)
                def _():
                    fire_idx(nxt, b)

        for b in range(_NBUF):
            wait_store(b)

    return body


def kernel(x, token_emb, pos_emb):
    batch, seq_len = x.shape
    vocab, d = token_emb.shape
    assert batch % (2 * _NW * _NBUF) == 0 and (2 * seq_len) % _J == 0
    gi = 2 * seq_len // _J
    assert gi <= 128 and gi % 8 == 0
    chunks_per_w = batch // (2 * _NW)

    x2 = x.astype(jnp.int32).reshape(batch // 2, 2 * seq_len)
    body = _make_body(seq_len, d, chunks_per_w, gi)

    out = pl.kernel(
        body,
        out_type=jax.ShapeDtypeStruct((batch * seq_len, d), jnp.float32),
        mesh=plsc.VectorSubcoreMesh(core_axis_name="c", subcore_axis_name="s"),
        scratch_types=[
            pltpu.VMEM((_NBUF, 2 * seq_len), jnp.int32),
            pltpu.VMEM((seq_len, d), jnp.float32),
        ] + [pltpu.VMEM((2 * seq_len, d), jnp.float32)] * _NBUF
          + [pltpu.SemaphoreType.DMA] * (3 * _NBUF),
        compiler_params=pltpu.CompilerParams(use_tc_tiling_on_sc=False),
    )(x2, token_emb, pos_emb)
    return out.reshape(batch, seq_len, d)

# --- scband reference (transcript-rebuilt; emitter-appended) ---
"""Pipeline reference for scband-embed-block-19344532701736 (READ-ONLY COPY).

The authoritative reference and input builder live on the scoring server;
editing this copy changes nothing except your own understanding.
"""

import jax, jax.numpy as jnp
import numpy as np

NUM_TOKENS = 1000000
DIM = 64
SEQ_LEN = 200
BATCH = 4096

def setup_inputs(seed: int = 0) -> dict:
    key = jax.random.key(seed)
    k1, k2, k3 = jax.random.split(key, 3)
    x = jax.random.randint(k1, (BATCH, SEQ_LEN), 0, NUM_TOKENS, dtype=jnp.int64 if jax.config.jax_enable_x64 else jnp.int32)
    token_emb = jax.random.normal(k2, (NUM_TOKENS, DIM), dtype=jnp.float32) * 0.02
    pos_emb = jax.random.normal(k3, (SEQ_LEN, DIM), dtype=jnp.float32) * 0.02
    return {"x": x, "token_emb": token_emb, "pos_emb": pos_emb}

def reference(x, token_emb, pos_emb):
    n = x.shape[1]
    tok = jnp.take(token_emb, x, axis=0)            # [B, L, D] gather
    pos = jnp.take(pos_emb, jnp.arange(n), axis=0)  # [L, D]
    return pos[None, :, :] + tok

if __name__ == "__main__":
    import jax
    _d = setup_inputs()
    print(jax.jit(kernel)(*tuple(_d.values())))

</pallas_src>

<mosaic_0001>
#map = affine_map<(d0, d1) -> (0, 0)>
module attributes {stable_mosaic.version = 14 : i64} {
  func.func @body(%arg0: i32, %arg1: i32, %arg2: memref<2048x400xi32, #tpu.memory_space<hbm>>, %arg3: memref<1000000x64xf32, #tpu.memory_space<hbm>>, %arg4: memref<200x64xf32, #tpu.memory_space<hbm>>, %arg5: memref<819200x64xf32, #tpu.memory_space<hbm>>, %arg6: memref<4x400xi32, #tpu.memory_space<vmem>>, %arg7: memref<200x64xf32, #tpu.memory_space<vmem>>, %arg8: memref<400x64xf32, #tpu.memory_space<vmem>>, %arg9: memref<400x64xf32, #tpu.memory_space<vmem>>, %arg10: memref<400x64xf32, #tpu.memory_space<vmem>>, %arg11: memref<400x64xf32, #tpu.memory_space<vmem>>, %arg12: memref<!tpu.dma_semaphore, #tpu.memory_space<semaphore_mem>>, %arg13: memref<!tpu.dma_semaphore, #tpu.memory_space<semaphore_mem>>, %arg14: memref<!tpu.dma_semaphore, #tpu.memory_space<semaphore_mem>>, %arg15: memref<!tpu.dma_semaphore, #tpu.memory_space<semaphore_mem>>, %arg16: memref<!tpu.dma_semaphore, #tpu.memory_space<semaphore_mem>>, %arg17: memref<!tpu.dma_semaphore, #tpu.memory_space<semaphore_mem>>, %arg18: memref<!tpu.dma_semaphore, #tpu.memory_space<semaphore_mem>>, %arg19: memref<!tpu.dma_semaphore, #tpu.memory_space<semaphore_mem>>, %arg20: memref<!tpu.dma_semaphore, #tpu.memory_space<semaphore_mem>>, %arg21: memref<!tpu.dma_semaphore, #tpu.memory_space<semaphore_mem>>, %arg22: memref<!tpu.dma_semaphore, #tpu.memory_space<semaphore_mem>>, %arg23: memref<!tpu.dma_semaphore, #tpu.memory_space<semaphore_mem>>) attributes {dimension_semantics = [#tpu.dimension_semantics<core_parallel>, #tpu.dimension_semantics<subcore_parallel>], iteration_bounds = array<i64: 2, 16>, scalar_prefetch = 0 : i64, scratch_operands = 18 : i64, tpu.core_type = #tpu.core_type<sc_vector_subcore>, window_params = [{transform_indices = #map}, {transform_indices = #map}, {transform_indices = #map}, {transform_indices = #map}]} {
    %mul3A = arith.constant 2 : i32
    %mul3A_0 = arith.muli %arg1, %mul3A : i32
    %add3A = arith.addi %mul3A_0, %arg0 : i32
    %mul3A_1 = arith.constant 64 : i32
    %mul3A_2 = arith.muli %add3A, %mul3A_1 : i32
    "tpu.region"() ({
      %run_scoped3A = tpu.sem_alloc : memref<!tpu.dma_semaphore, #tpu.memory_space<semaphore_mem>>
      tpu.enqueue_dma source(%arg4 : memref<200x64xf32, #tpu.memory_space<hbm>>) target(%arg7 : memref<200x64xf32, #tpu.memory_space<vmem>>) target_semaphore(%run_scoped3A : memref<!tpu.dma_semaphore, #tpu.memory_space<semaphore_mem>>)
      tpu.wait_dma2 semaphore(%run_scoped3A : memref<!tpu.dma_semaphore, #tpu.memory_space<semaphore_mem>>) src(%arg4 : memref<200x64xf32, #tpu.memory_space<hbm>>) dst(%arg7 : memref<200x64xf32, #tpu.memory_space<vmem>>)
      tpu.yield
    }) : () -> ()
    %add3A_3 = arith.constant 0 : i32
    %add3A_4 = arith.addi %mul3A_2, %add3A_3 : i32
    %dma_start3A = arith.constant 0 : i32
    %dma_start3A_5 = arith.constant 0 : i32
    %dma_start3A_6 = tpu.memref_slice %arg6[%dma_start3A, %dma_start3A_5] : memref<4x400xi32, #tpu.memory_space<vmem>> -> memref<1x400xi32, #tpu.memory_space<vmem>>
    %dma_start3A_7 = tpu.memref_squeeze %dma_start3A_6 : memref<1x400xi32, #tpu.memory_space<vmem>> -> memref<400xi32, #tpu.memory_space<vmem>>
    %dma_start3A_8 = arith.constant 0 : i32
    %dma_start3A_9 = tpu.memref_slice %arg2[%add3A_4, %dma_start3A_8] : memref<2048x400xi32, #tpu.memory_space<hbm>> -> memref<1x400xi32, #tpu.memory_space<hbm>>
    %dma_start3A_10 = tpu.memref_squeeze %dma_start3A_9 : memref<1x400xi32, #tpu.memory_space<hbm>> -> memref<400xi32, #tpu.memory_space<hbm>>
    %dma_start3A_11 = arith.constant 0 : i32
    %dma_start3A_12 = tpu.memref_slice %arg6[%dma_start3A, %dma_start3A_11] : memref<4x400xi32, #tpu.memory_space<vmem>> -> memref<1x400xi32, #tpu.memory_space<vmem>>
    %dma_start3A_13 = tpu.memref_squeeze %dma_start3A_12 : memref<1x400xi32, #tpu.memory_space<vmem>> -> memref<400xi32, #tpu.memory_space<vmem>>
    %dma_start3A_14 = arith.constant 0 : i32
    %dma_start3A_15 = tpu.memref_slice %arg2[%add3A_4, %dma_start3A_14] : memref<2048x400xi32, #tpu.memory_space<hbm>> -> memref<1x400xi32, #tpu.memory_space<hbm>>
    %dma_start3A_16 = tpu.memref_squeeze %dma_start3A_15 : memref<1x400xi32, #tpu.memory_space<hbm>> -> memref<400xi32, #tpu.memory_space<hbm>>
    tpu.enqueue_dma source(%dma_start3A_16 : memref<400xi32, #tpu.memory_space<hbm>>) target(%dma_start3A_13 : memref<400xi32, #tpu.memory_space<vmem>>) target_semaphore(%arg12 : memref<!tpu.dma_semaphore, #tpu.memory_space<semaphore_mem>>)
    %add3A_17 = arith.constant 1 : i32
    %add3A_18 = arith.addi %mul3A_2, %add3A_17 : i32
    %dma_start3A_19 = arith.constant 1 : i32
    %dma_start3A_20 = arith.constant 0 : i32
    %dma_start3A_21 = tpu.memref_slice %arg6[%dma_start3A_19, %dma_start3A_20] : memref<4x400xi32, #tpu.memory_space<vmem>> -> memref<1x400xi32, #tpu.memory_space<vmem>>
    %dma_start3A_22 = tpu.memref_squeeze %dma_start3A_21 : memref<1x400xi32, #tpu.memory_space<vmem>> -> memref<400xi32, #tpu.memory_space<vmem>>
    %dma_start3A_23 = arith.constant 0 : i32
    %dma_start3A_24 = tpu.memref_slice %arg2[%add3A_18, %dma_start3A_23] : memref<2048x400xi32, #tpu.memory_space<hbm>> -> memref<1x400xi32, #tpu.memory_space<hbm>>
    %dma_start3A_25 = tpu.memref_squeeze %dma_start3A_24 : memref<1x400xi32, #tpu.memory_space<hbm>> -> memref<400xi32, #tpu.memory_space<hbm>>
    %dma_start3A_26 = arith.constant 0 : i32
    %dma_start3A_27 = tpu.memref_slice %arg6[%dma_start3A_19, %dma_start3A_26] : memref<4x400xi32, #tpu.memory_space<vmem>> -> memref<1x400xi32, #tpu.memory_space<vmem>>
    %dma_start3A_28 = tpu.memref_squeeze %dma_start3A_27 : memref<1x400xi32, #tpu.memory_space<vmem>> -> memref<400xi32, #tpu.memory_space<vmem>>
    %dma_start3A_29 = arith.constant 0 : i32
    %dma_start3A_30 = tpu.memref_slice %arg2[%add3A_18, %dma_start3A_29] : memref<2048x400xi32, #tpu.memory_space<hbm>> -> memref<1x400xi32, #tpu.memory_space<hbm>>
    %dma_start3A_31 = tpu.memref_squeeze %dma_start3A_30 : memref<1x400xi32, #tpu.memory_space<hbm>> -> memref<400xi32, #tpu.memory_space<hbm>>
    tpu.enqueue_dma source(%dma_start3A_31 : memref<400xi32, #tpu.memory_space<hbm>>) target(%dma_start3A_28 : memref<400xi32, #tpu.memory_space<vmem>>) target_semaphore(%arg13 : memref<!tpu.dma_semaphore, #tpu.memory_space<semaphore_mem>>)
    %add3A_32 = arith.constant 2 : i32
    %add3A_33 = arith.addi %mul3A_2, %add3A_32 : i32
    %dma_start3A_34 = arith.constant 2 : i32
    %dma_start3A_35 = arith.constant 0 : i32
    %dma_start3A_36 = tpu.memref_slice %arg6[%dma_start3A_34, %dma_start3A_35] : memref<4x400xi32, #tpu.memory_space<vmem>> -> memref<1x400xi32, #tpu.memory_space<vmem>>
    %dma_start3A_37 = tpu.memref_squeeze %dma_start3A_36 : memref<1x400xi32, #tpu.memory_space<vmem>> -> memref<400xi32, #tpu.memory_space<vmem>>
    %dma_start3A_38 = arith.constant 0 : i32
    %dma_start3A_39 = tpu.memref_slice %arg2[%add3A_33, %dma_start3A_38] : memref<2048x400xi32, #tpu.memory_space<hbm>> -> memref<1x400xi32, #tpu.memory_space<hbm>>
    %dma_start3A_40 = tpu.memref_squeeze %dma_start3A_39 : memref<1x400xi32, #tpu.memory_space<hbm>> -> memref<400xi32, #tpu.memory_space<hbm>>
    %dma_start3A_41 = arith.constant 0 : i32
    %dma_start3A_42 = tpu.memref_slice %arg6[%dma_start3A_34, %dma_start3A_41] : memref<4x400xi32, #tpu.memory_space<vmem>> -> memref<1x400xi32, #tpu.memory_space<vmem>>
    %dma_start3A_43 = tpu.memref_squeeze %dma_start3A_42 : memref<1x400xi32, #tpu.memory_space<vmem>> -> memref<400xi32, #tpu.memory_space<vmem>>
    %dma_start3A_44 = arith.constant 0 : i32
    %dma_start3A_45 = tpu.memref_slice %arg2[%add3A_33, %dma_start3A_44] : memref<2048x400xi32, #tpu.memory_space<hbm>> -> memref<1x400xi32, #tpu.memory_space<hbm>>
    %dma_start3A_46 = tpu.memref_squeeze %dma_start3A_45 : memref<1x400xi32, #tpu.memory_space<hbm>> -> memref<400xi32, #tpu.memory_space<hbm>>
    tpu.enqueue_dma source(%dma_start3A_46 : memref<400xi32, #tpu.memory_space<hbm>>) target(%dma_start3A_43 : memref<400xi32, #tpu.memory_space<vmem>>) target_semaphore(%arg14 : memref<!tpu.dma_semaphore, #tpu.memory_space<semaphore_mem>>)
    %add3A_47 = arith.constant 3 : i32
    %add3A_48 = arith.addi %mul3A_2, %add3A_47 : i32
    %dma_start3A_49 = arith.constant 3 : i32
    %dma_start3A_50 = arith.constant 0 : i32
    %dma_start3A_51 = tpu.memref_slice %arg6[%dma_start3A_49, %dma_start3A_50] : memref<4x400xi32, #tpu.memory_space<vmem>> -> memref<1x400xi32, #tpu.memory_space<vmem>>
    %dma_start3A_52 = tpu.memref_squeeze %dma_start3A_51 : memref<1x400xi32, #tpu.memory_space<vmem>> -> memref<400xi32, #tpu.memory_space<vmem>>
    %dma_start3A_53 = arith.constant 0 : i32
    %dma_start3A_54 = tpu.memref_slice %arg2[%add3A_48, %dma_start3A_53] : memref<2048x400xi32, #tpu.memory_space<hbm>> -> memref<1x400xi32, #tpu.memory_space<hbm>>
    %dma_start3A_55 = tpu.memref_squeeze %dma_start3A_54 : memref<1x400xi32, #tpu.memory_space<hbm>> -> memref<400xi32, #tpu.memory_space<hbm>>
    %dma_start3A_56 = arith.constant 0 : i32
    %dma_start3A_57 = tpu.memref_slice %arg6[%dma_start3A_49, %dma_start3A_56] : memref<4x400xi32, #tpu.memory_space<vmem>> -> memref<1x400xi32, #tpu.memory_space<vmem>>
    %dma_start3A_58 = tpu.memref_squeeze %dma_start3A_57 : memref<1x400xi32, #tpu.memory_space<vmem>> -> memref<400xi32, #tpu.memory_space<vmem>>
    %dma_start3A_59 = arith.constant 0 : i32
    %dma_start3A_60 = tpu.memref_slice %arg2[%add3A_48, %dma_start3A_59] : memref<2048x400xi32, #tpu.memory_space<hbm>> -> memref<1x400xi32, #tpu.memory_space<hbm>>
    %dma_start3A_61 = tpu.memref_squeeze %dma_start3A_60 : memref<1x400xi32, #tpu.memory_space<hbm>> -> memref<400xi32, #tpu.memory_space<hbm>>
    tpu.enqueue_dma source(%dma_start3A_61 : memref<400xi32, #tpu.memory_space<hbm>>) target(%dma_start3A_58 : memref<400xi32, #tpu.memory_space<vmem>>) target_semaphore(%arg15 : memref<!tpu.dma_semaphore, #tpu.memory_space<semaphore_mem>>)
    %scan3A = arith.constant 0 : i32
    %scan3A_62 = arith.constant 16 : i32
    %scan3A_63 = arith.addi %scan3A, %scan3A_62 : i32
    %scan3A_64 = arith.constant 1 : i32
    scf.for %scan3A_89 = %scan3A to %scan3A_63 step %scan3A_64  : i32 {
      %mul3A_90 = arith.constant 4 : i32
      %mul3A_91 = arith.muli %scan3A_89, %mul3A_90 : i32
      %add3A_92 = arith.constant 0 : i32
      %add3A_93 = arith.addi %add3A_92, %mul3A_91 : i32
      %gt3A = arith.constant 0 : i32
      %gt3A_94 = arith.cmpi sgt, %add3A_93, %gt3A : i32
      %convert_element_type3A = arith.extui %gt3A_94 : i1 to i32
      %cond3A = arith.constant 0 : i32
      %cond3A_95 = arith.cmpi ne, %convert_element_type3A, %cond3A : i32
      scf.if %cond3A_95 {
        %dma_wait3A_482 = arith.constant 0 : i32
        %dma_wait3A_483 = arith.constant 0 : i32
        %dma_wait3A_484 = tpu.memref_slice %arg5[%dma_wait3A_482, %dma_wait3A_483] : memref<819200x64xf32, #tpu.memory_space<hbm>> -> memref<400x64xf32, #tpu.memory_space<hbm>>
        %dma_wait3A_485 = arith.constant 0 : i32
        %dma_wait3A_486 = arith.constant 0 : i32
        %dma_wait3A_487 = tpu.memref_slice %arg5[%dma_wait3A_485, %dma_wait3A_486] : memref<819200x64xf32, #tpu.memory_space<hbm>> -> memref<400x64xf32, #tpu.memory_space<hbm>>
        tpu.wait_dma2 semaphore(%arg20 : memref<!tpu.dma_semaphore, #tpu.memory_space<semaphore_mem>>) src(%arg8 : memref<400x64xf32, #tpu.memory_space<vmem>>) dst(%dma_wait3A_487 : memref<400x64xf32, #tpu.memory_space<hbm>>)
      } else {
      }
      %dma_wait3A_96 = arith.constant 0 : i32
      %dma_wait3A_97 = arith.constant 0 : i32
      %dma_wait3A_98 = arith.constant 0 : i32
      %dma_wait3A_99 = tpu.memref_slice %arg6[%dma_wait3A_97, %dma_wait3A_98] : memref<4x400xi32, #tpu.memory_space<vmem>> -> memref<1x400xi32, #tpu.memory_space<vmem>>
      %dma_wait3A_100 = tpu.memref_squeeze %dma_wait3A_99 : memref<1x400xi32, #tpu.memory_space<vmem>> -> memref<400xi32, #tpu.memory_space<vmem>>
      %dma_wait3A_101 = arith.constant 0 : i32
      %dma_wait3A_102 = tpu.memref_slice %arg2[%dma_wait3A_96, %dma_wait3A_101] : memref<2048x400xi32, #tpu.memory_space<hbm>> -> memref<1x400xi32, #tpu.memory_space<hbm>>
      %dma_wait3A_103 = tpu.memref_squeeze %dma_wait3A_102 : memref<1x400xi32, #tpu.memory_space<hbm>> -> memref<400xi32, #tpu.memory_space<hbm>>
      %dma_wait3A_104 = arith.constant 0 : i32
      %dma_wait3A_105 = tpu.memref_slice %arg6[%dma_wait3A_97, %dma_wait3A_104] : memref<4x400xi32, #tpu.memory_space<vmem>> -> memref<1x400xi32, #tpu.memory_space<vmem>>
      %dma_wait3A_106 = tpu.memref_squeeze %dma_wait3A_105 : memref<1x400xi32, #tpu.memory_space<vmem>> -> memref<400xi32, #tpu.memory_space<vmem>>
      %dma_wait3A_107 = arith.constant 0 : i32
      %dma_wait3A_108 = tpu.memref_slice %arg2[%dma_wait3A_96, %dma_wait3A_107] : memref<2048x400xi32, #tpu.memory_space<hbm>> -> memref<1x400xi32, #tpu.memory_space<hbm>>
      %dma_wait3A_109 = tpu.memref_squeeze %dma_wait3A_108 : memref<1x400xi32, #tpu.memory_space<hbm>> -> memref<400xi32, #tpu.memory_space<hbm>>
      tpu.wait_dma2 semaphore(%arg12 : memref<!tpu.dma_semaphore, #tpu.memory_space<semaphore_mem>>) src(%dma_wait3A_109 : memref<400xi32, #tpu.memory_space<hbm>>) dst(%dma_wait3A_106 : memref<400xi32, #tpu.memory_space<vmem>>)
      %dma_start3A_110 = arith.constant 0 : i32
      %dma_start3A_111 = arith.constant 0 : i32
      %dma_start3A_112 = arith.constant 0 : i32
      %dma_start3A_113 = tpu.memref_slice %arg8[%dma_start3A_111, %dma_start3A_112] : memref<400x64xf32, #tpu.memory_space<vmem>> -> memref<80x64xf32, #tpu.memory_space<vmem>>
      %dma_start3A_114 = arith.constant 0 : i32
      %dma_start3A_115 = tpu.memref_slice %arg6[%dma_start3A_110, %dma_start3A_114] : memref<4x400xi32, #tpu.memory_space<vmem>> -> memref<1x80xi32, #tpu.memory_space<vmem>>
      %dma_start3A_116 = tpu.memref_squeeze %dma_start3A_115 : memref<1x80xi32, #tpu.memory_space<vmem>> -> memref<80xi32, #tpu.memory_space<vmem>>
      %dma_start3A_117 = arith.constant 0 : i32
      %dma_start3A_118 = arith.constant 0 : i32
      %dma_start3A_119 = tpu.memref_slice %arg3[%dma_start3A_117, %dma_start3A_118] : memref<1000000x64xf32, #tpu.memory_space<hbm>> -> memref<1000000x64xf32, #tpu.memory_space<hbm>>
      tpu.enqueue_indirect_dma source(%dma_start3A_119 : memref<1000000x64xf32, #tpu.memory_space<hbm>>) target(%dma_start3A_113 : memref<80x64xf32, #tpu.memory_space<vmem>>) offsets(%dma_start3A_116 : memref<80xi32, #tpu.memory_space<vmem>>) semaphore(%arg16 : memref<!tpu.dma_semaphore, #tpu.memory_space<semaphore_mem>>)
      %dma_start3A_120 = arith.constant 0 : i32
      %dma_start3A_121 = arith.constant 80 : i32
      %dma_start3A_122 = arith.constant 0 : i32
      %dma_start3A_123 = tpu.memref_slice %arg8[%dma_start3A_121, %dma_start3A_122] : memref<400x64xf32, #tpu.memory_space<vmem>> -> memref<80x64xf32, #tpu.memory_space<vmem>>
      %dma_start3A_124 = arith.constant 80 : i32
      %dma_start3A_125 = tpu.memref_slice %arg6[%dma_start3A_120, %dma_start3A_124] : memref<4x400xi32, #tpu.memory_space<vmem>> -> memref<1x80xi32, #tpu.memory_space<vmem>>
      %dma_start3A_126 = tpu.memref_squeeze %dma_start3A_125 : memref<1x80xi32, #tpu.memory_space<vmem>> -> memref<80xi32, #tpu.memory_space<vmem>>
      %dma_start3A_127 = arith.constant 0 : i32
      %dma_start3A_128 = arith.constant 0 : i32
      %dma_start3A_129 = tpu.memref_slice %arg3[%dma_start3A_127, %dma_start3A_128] : memref<1000000x64xf32, #tpu.memory_space<hbm>> -> memref<1000000x64xf32, #tpu.memory_space<hbm>>
      tpu.enqueue_indirect_dma source(%dma_start3A_129 : memref<1000000x64xf32, #tpu.memory_space<hbm>>) target(%dma_start3A_123 : memref<80x64xf32, #tpu.memory_space<vmem>>) offsets(%dma_start3A_126 : memref<80xi32, #tpu.memory_space<vmem>>) semaphore(%arg16 : memref<!tpu.dma_semaphore, #tpu.memory_space<semaphore_mem>>)
      %dma_start3A_130 = arith.constant 0 : i32
      %dma_start3A_131 = arith.constant 160 : i32
      %dma_start3A_132 = arith.constant 0 : i32
      %dma_start3A_133 = tpu.memref_slice %arg8[%dma_start3A_131, %dma_start3A_132] : memref<400x64xf32, #tpu.memory_space<vmem>> -> memref<80x64xf32, #tpu.memory_space<vmem>>
      %dma_start3A_134 = arith.constant 160 : i32
      %dma_start3A_135 = tpu.memref_slice %arg6[%dma_start3A_130, %dma_start3A_134] : memref<4x400xi32, #tpu.memory_space<vmem>> -> memref<1x80xi32, #tpu.memory_space<vmem>>
      %dma_start3A_136 = tpu.memref_squeeze %dma_start3A_135 : memref<1x80xi32, #tpu.memory_space<vmem>> -> memref<80xi32, #tpu.memory_space<vmem>>
      %dma_start3A_137 = arith.constant 0 : i32
      %dma_start3A_138 = arith.constant 0 : i32
      %dma_start3A_139 = tpu.memref_slice %arg3[%dma_start3A_137, %dma_start3A_138] : memref<1000000x64xf32, #tpu.memory_space<hbm>> -> memref<1000000x64xf32, #tpu.memory_space<hbm>>
      tpu.enqueue_indirect_dma source(%dma_start3A_139 : memref<1000000x64xf32, #tpu.memory_space<hbm>>) target(%dma_start3A_133 : memref<80x64xf32, #tpu.memory_space<vmem>>) offsets(%dma_start3A_136 : memref<80xi32, #tpu.memory_space<vmem>>) semaphore(%arg16 : memref<!tpu.dma_semaphore, #tpu.memory_space<semaphore_mem>>)
      %dma_start3A_140 = arith.constant 0 : i32
      %dma_start3A_141 = arith.constant 240 : i32
      %dma_start3A_142 = arith.constant 0 : i32
      %dma_start3A_143 = tpu.memref_slice %arg8[%dma_start3A_141, %dma_start3A_142] : memref<400x64xf32, #tpu.memory_space<vmem>> -> memref<80x64xf32, #tpu.memory_space<vmem>>
      %dma_start3A_144 = arith.constant 240 : i32
      %dma_start3A_145 = tpu.memref_slice %arg6[%dma_start3A_140, %dma_start3A_144] : memref<4x400xi32, #tpu.memory_space<vmem>> -> memref<1x80xi32, #tpu.memory_space<vmem>>
      %dma_start3A_146 = tpu.memref_squeeze %dma_start3A_145 : memref<1x80xi32, #tpu.memory_space<vmem>> -> memref<80xi32, #tpu.memory_space<vmem>>
      %dma_start3A_147 = arith.constant 0 : i32
      %dma_start3A_148 = arith.constant 0 : i32
      %dma_start3A_149 = tpu.memref_slice %arg3[%dma_start3A_147, %dma_start3A_148] : memref<1000000x64xf32, #tpu.memory_space<hbm>> -> memref<1000000x64xf32, #tpu.memory_space<hbm>>
      tpu.enqueue_indirect_dma source(%dma_start3A_149 : memref<1000000x64xf32, #tpu.memory_space<hbm>>) target(%dma_start3A_143 : memref<80x64xf32, #tpu.memory_space<vmem>>) offsets(%dma_start3A_146 : memref<80xi32, #tpu.memory_space<vmem>>) semaphore(%arg16 : memref<!tpu.dma_semaphore, #tpu.memory_space<semaphore_mem>>)
      %dma_start3A_150 = arith.constant 0 : i32
      %dma_start3A_151 = arith.constant 320 : i32
      %dma_start3A_152 = arith.constant 0 : i32
      %dma_start3A_153 = tpu.memref_slice %arg8[%dma_start3A_151, %dma_start3A_152] : memref<400x64xf32, #tpu.memory_space<vmem>> -> memref<80x64xf32, #tpu.memory_space<vmem>>
      %dma_start3A_154 = arith.constant 320 : i32
      %dma_start3A_155 = tpu.memref_slice %arg6[%dma_start3A_150, %dma_start3A_154] : memref<4x400xi32, #tpu.memory_space<vmem>> -> memref<1x80xi32, #tpu.memory_space<vmem>>
      %dma_start3A_156 = tpu.memref_squeeze %dma_start3A_155 : memref<1x80xi32, #tpu.memory_space<vmem>> -> memref<80xi32, #tpu.memory_space<vmem>>
      %dma_start3A_157 = arith.constant 0 : i32
      %dma_start3A_158 = arith.constant 0 : i32
      %dma_start3A_159 = tpu.memref_slice %arg3[%dma_start3A_157, %dma_start3A_158] : memref<1000000x64xf32, #tpu.memory_space<hbm>> -> memref<1000000x64xf32, #tpu.memory_space<hbm>>
      tpu.enqueue_indirect_dma source(%dma_start3A_159 : memref<1000000x64xf32, #tpu.memory_space<hbm>>) target(%dma_start3A_153 : memref<80x64xf32, #tpu.memory_space<vmem>>) offsets(%dma_start3A_156 : memref<80xi32, #tpu.memory_space<vmem>>) semaphore(%arg16 : memref<!tpu.dma_semaphore, #tpu.memory_space<semaphore_mem>>)
      %gt3A_160 = arith.constant 0 : i32
      %gt3A_161 = arith.cmpi sgt, %add3A_93, %gt3A_160 : i32
      %convert_element_type3A_162 = arith.extui %gt3A_161 : i1 to i32
      %cond3A_163 = arith.constant 0 : i32
      %cond3A_164 = arith.cmpi ne, %convert_element_type3A_162, %cond3A_163 : i32
      scf.if %cond3A_164 {
        %dma_wait3A_482 = arith.constant 0 : i32
        %dma_wait3A_483 = arith.constant 0 : i32
        %dma_wait3A_484 = tpu.memref_slice %arg5[%dma_wait3A_482, %dma_wait3A_483] : memref<819200x64xf32, #tpu.memory_space<hbm>> -> memref<400x64xf32, #tpu.memory_space<hbm>>
        %dma_wait3A_485 = arith.constant 0 : i32
        %dma_wait3A_486 = arith.constant 0 : i32
        %dma_wait3A_487 = tpu.memref_slice %arg5[%dma_wait3A_485, %dma_wait3A_486] : memref<819200x64xf32, #tpu.memory_space<hbm>> -> memref<400x64xf32, #tpu.memory_space<hbm>>
        tpu.wait_dma2 semaphore(%arg21 : memref<!tpu.dma_semaphore, #tpu.memory_space<semaphore_mem>>) src(%arg9 : memref<400x64xf32, #tpu.memory_space<vmem>>) dst(%dma_wait3A_487 : memref<400x64xf32, #tpu.memory_space<hbm>>)
      } else {
      }
      %dma_wait3A_165 = arith.constant 0 : i32
      %dma_wait3A_166 = arith.constant 1 : i32
      %dma_wait3A_167 = arith.constant 0 : i32
      %dma_wait3A_168 = tpu.memref_slice %arg6[%dma_wait3A_166, %dma_wait3A_167] : memref<4x400xi32, #tpu.memory_space<vmem>> -> memref<1x400xi32, #tpu.memory_space<vmem>>
      %dma_wait3A_169 = tpu.memref_squeeze %dma_wait3A_168 : memref<1x400xi32, #tpu.memory_space<vmem>> -> memref<400xi32, #tpu.memory_space<vmem>>
      %dma_wait3A_170 = arith.constant 0 : i32
      %dma_wait3A_171 = tpu.memref_slice %arg2[%dma_wait3A_165, %dma_wait3A_170] : memref<2048x400xi32, #tpu.memory_space<hbm>> -> memref<1x400xi32, #tpu.memory_space<hbm>>
      %dma_wait3A_172 = tpu.memref_squeeze %dma_wait3A_171 : memref<1x400xi32, #tpu.memory_space<hbm>> -> memref<400xi32, #tpu.memory_space<hbm>>
      %dma_wait3A_173 = arith.constant 0 : i32
      %dma_wait3A_174 = tpu.memref_slice %arg6[%dma_wait3A_166, %dma_wait3A_173] : memref<4x400xi32, #tpu.memory_space<vmem>> -> memref<1x400xi32, #tpu.memory_space<vmem>>
      %dma_wait3A_175 = tpu.memref_squeeze %dma_wait3A_174 : memref<1x400xi32, #tpu.memory_space<vmem>> -> memref<400xi32, #tpu.memory_space<vmem>>
      %dma_wait3A_176 = arith.constant 0 : i32
      %dma_wait3A_177 = tpu.memref_slice %arg2[%dma_wait3A_165, %dma_wait3A_176] : memref<2048x400xi32, #tpu.memory_space<hbm>> -> memref<1x400xi32, #tpu.memory_space<hbm>>
      %dma_wait3A_178 = tpu.memref_squeeze %dma_wait3A_177 : memref<1x400xi32, #tpu.memory_space<hbm>> -> memref<400xi32, #tpu.memory_space<hbm>>
      tpu.wait_dma2 semaphore(%arg13 : memref<!tpu.dma_semaphore, #tpu.memory_space<semaphore_mem>>) src(%dma_wait3A_178 : memref<400xi32, #tpu.memory_space<hbm>>) dst(%dma_wait3A_175 : memref<400xi32, #tpu.memory_space<vmem>>)
      %dma_start3A_179 = arith.constant 1 : i32
      %dma_start3A_180 = arith.constant 0 : i32
      %dma_start3A_181 = arith.constant 0 : i32
      %dma_start3A_182 = tpu.memref_slice %arg9[%dma_start3A_180, %dma_start3A_181] : memref<400x64xf32, #tpu.memory_space<vmem>> -> memref<80x64xf32, #tpu.memory_space<vmem>>
      %dma_start3A_183 = arith.constant 0 : i32
      %dma_start3A_184 = tpu.memref_slice %arg6[%dma_start3A_179, %dma_start3A_183] : memref<4x400xi32, #tpu.memory_space<vmem>> -> memref<1x80xi32, #tpu.memory_space<vmem>>
      %dma_start3A_185 = tpu.memref_squeeze %dma_start3A_184 : memref<1x80xi32, #tpu.memory_space<vmem>> -> memref<80xi32, #tpu.memory_space<vmem>>
      %dma_start3A_186 = arith.constant 0 : i32
      %dma_start3A_187 = arith.constant 0 : i32
      %dma_start3A_188 = tpu.memref_slice %arg3[%dma_start3A_186, %dma_start3A_187] : memref<1000000x64xf32, #tpu.memory_space<hbm>> -> memref<1000000x64xf32, #tpu.memory_space<hbm>>
      tpu.enqueue_indirect_dma source(%dma_start3A_188 : memref<1000000x64xf32, #tpu.memory_space<hbm>>) target(%dma_start3A_182 : memref<80x64xf32, #tpu.memory_space<vmem>>) offsets(%dma_start3A_185 : memref<80xi32, #tpu.memory_space<vmem>>) semaphore(%arg17 : memref<!tpu.dma_semaphore, #tpu.memory_space<semaphore_mem>>)
      %dma_start3A_189 = arith.constant 1 : i32
      %dma_start3A_190 = arith.constant 80 : i32
      %dma_start3A_191 = arith.constant 0 : i32
      %dma_start3A_192 = tpu.memref_slice %arg9[%dma_start3A_190, %dma_start3A_191] : memref<400x64xf32, #tpu.memory_space<vmem>> -> memref<80x64xf32, #tpu.memory_space<vmem>>
      %dma_start3A_193 = arith.constant 80 : i32
      %dma_start3A_194 = tpu.memref_slice %arg6[%dma_start3A_189, %dma_start3A_193] : memref<4x400xi32, #tpu.memory_space<vmem>> -> memref<1x80xi32, #tpu.memory_space<vmem>>
      %dma_start3A_195 = tpu.memref_squeeze %dma_start3A_194 : memref<1x80xi32, #tpu.memory_space<vmem>> -> memref<80xi32, #tpu.memory_space<vmem>>
      %dma_start3A_196 = arith.constant 0 : i32
      %dma_start3A_197 = arith.constant 0 : i32
      %dma_start3A_198 = tpu.memref_slice %arg3[%dma_start3A_196, %dma_start3A_197] : memref<1000000x64xf32, #tpu.memory_space<hbm>> -> memref<1000000x64xf32, #tpu.memory_space<hbm>>
      tpu.enqueue_indirect_dma source(%dma_start3A_198 : memref<1000000x64xf32, #tpu.memory_space<hbm>>) target(%dma_start3A_192 : memref<80x64xf32, #tpu.memory_space<vmem>>) offsets(%dma_start3A_195 : memref<80xi32, #tpu.memory_space<vmem>>) semaphore(%arg17 : memref<!tpu.dma_semaphore, #tpu.memory_space<semaphore_mem>>)
      %dma_start3A_199 = arith.constant 1 : i32
      %dma_start3A_200 = arith.constant 160 : i32
      %dma_start3A_201 = arith.constant 0 : i32
      %dma_start3A_202 = tpu.memref_slice %arg9[%dma_start3A_200, %dma_start3A_201] : memref<400x64xf32, #tpu.memory_space<vmem>> -> memref<80x64xf32, #tpu.memory_space<vmem>>
      %dma_start3A_203 = arith.constant 160 : i32
      %dma_start3A_204 = tpu.memref_slice %arg6[%dma_start3A_199, %dma_start3A_203] : memref<4x400xi32, #tpu.memory_space<vmem>> -> memref<1x80xi32, #tpu.memory_space<vmem>>
      %dma_start3A_205 = tpu.memref_squeeze %dma_start3A_204 : memref<1x80xi32, #tpu.memory_space<vmem>> -> memref<80xi32, #tpu.memory_space<vmem>>
      %dma_start3A_206 = arith.constant 0 : i32
      %dma_start3A_207 = arith.constant 0 : i32
      %dma_start3A_208 = tpu.memref_slice %arg3[%dma_start3A_206, %dma_start3A_207] : memref<1000000x64xf32, #tpu.memory_space<hbm>> -> memref<1000000x64xf32, #tpu.memory_space<hbm>>
      tpu.enqueue_indirect_dma source(%dma_start3A_208 : memref<1000000x64xf32, #tpu.memory_space<hbm>>) target(%dma_start3A_202 : memref<80x64xf32, #tpu.memory_space<vmem>>) offsets(%dma_start3A_205 : memref<80xi32, #tpu.memory_space<vmem>>) semaphore(%arg17 : memref<!tpu.dma_semaphore, #tpu.memory_space<semaphore_mem>>)
      %dma_start3A_209 = arith.constant 1 : i32
      %dma_start3A_210 = arith.constant 240 : i32
      %dma_start3A_211 = arith.constant 0 : i32
      %dma_start3A_212 = tpu.memref_slice %arg9[%dma_start3A_210, %dma_start3A_211] : memref<400x64xf32, #tpu.memory_space<vmem>> -> memref<80x64xf32, #tpu.memory_space<vmem>>
      %dma_start3A_213 = arith.constant 240 : i32
      %dma_start3A_214 = tpu.memref_slice %arg6[%dma_start3A_209, %dma_start3A_213] : memref<4x400xi32, #tpu.memory_space<vmem>> -> memref<1x80xi32, #tpu.memory_space<vmem>>
      %dma_start3A_215 = tpu.memref_squeeze %dma_start3A_214 : memref<1x80xi32, #tpu.memory_space<vmem>> -> memref<80xi32, #tpu.memory_space<vmem>>
      %dma_start3A_216 = arith.constant 0 : i32
      %dma_start3A_217 = arith.constant 0 : i32
      %dma_start3A_218 = tpu.memref_slice %arg3[%dma_start3A_216, %dma_start3A_217] : memref<1000000x64xf32, #tpu.memory_space<hbm>> -> memref<1000000x64xf32, #tpu.memory_space<hbm>>
      tpu.enqueue_indirect_dma source(%dma_start3A_218 : memref<1000000x64xf32, #tpu.memory_space<hbm>>) target(%dma_start3A_212 : memref<80x64xf32, #tpu.memory_space<vmem>>) offsets(%dma_start3A_215 : memref<80xi32, #tpu.memory_space<vmem>>) semaphore(%arg17 : memref<!tpu.dma_semaphore, #tpu.memory_space<semaphore_mem>>)
      %dma_start3A_219 = arith.constant 1 : i32
      %dma_start3A_220 = arith.constant 320 : i32
      %dma_start3A_221 = arith.constant 0 : i32
      %dma_start3A_222 = tpu.memref_slice %arg9[%dma_start3A_220, %dma_start3A_221] : memref<400x64xf32, #tpu.memory_space<vmem>> -> memref<80x64xf32, #tpu.memory_space<vmem>>
      %dma_start3A_223 = arith.constant 320 : i32
      %dma_start3A_224 = tpu.memref_slice %arg6[%dma_start3A_219, %dma_start3A_223] : memref<4x400xi32, #tpu.memory_space<vmem>> -> memref<1x80xi32, #tpu.memory_space<vmem>>
      %dma_start3A_225 = tpu.memref_squeeze %dma_start3A_224 : memref<1x80xi32, #tpu.memory_space<vmem>> -> memref<80xi32, #tpu.memory_space<vmem>>
      %dma_start3A_226 = arith.constant 0 : i32
      %dma_start3A_227 = arith.constant 0 : i32
      %dma_start3A_228 = tpu.memref_slice %arg3[%dma_start3A_226, %dma_start3A_227] : memref<1000000x64xf32, #tpu.memory_space<hbm>> -> memref<1000000x64xf32, #tpu.memory_space<hbm>>
      tpu.enqueue_indirect_dma source(%dma_start3A_228 : memref<1000000x64xf32, #tpu.memory_space<hbm>>) target(%dma_start3A_222 : memref<80x64xf32, #tpu.memory_space<vmem>>) offsets(%dma_start3A_225 : memref<80xi32, #tpu.memory_space<vmem>>) semaphore(%arg17 : memref<!tpu.dma_semaphore, #tpu.memory_space<semaphore_mem>>)
      %gt3A_229 = arith.constant 0 : i32
      %gt3A_230 = arith.cmpi sgt, %add3A_93, %gt3A_229 : i32
      %convert_element_type3A_231 = arith.extui %gt3A_230 : i1 to i32
      %cond3A_232 = arith.constant 0 : i32
      %cond3A_233 = arith.cmpi ne, %convert_element_type3A_231, %cond3A_232 : i32
      scf.if %cond3A_233 {
        %dma_wait3A_482 = arith.constant 0 : i32
        %dma_wait3A_483 = arith.constant 0 : i32
        %dma_wait3A_484 = tpu.memref_slice %arg5[%dma_wait3A_482, %dma_wait3A_483] : memref<819200x64xf32, #tpu.memory_space<hbm>> -> memref<400x64xf32, #tpu.memory_space<hbm>>
        %dma_wait3A_485 = arith.constant 0 : i32
        %dma_wait3A_486 = arith.constant 0 : i32
        %dma_wait3A_487 = tpu.memref_slice %arg5[%dma_wait3A_485, %dma_wait3A_486] : memref<819200x64xf32, #tpu.memory_space<hbm>> -> memref<400x64xf32, #tpu.memory_space<hbm>>
        tpu.wait_dma2 semaphore(%arg22 : memref<!tpu.dma_semaphore, #tpu.memory_space<semaphore_mem>>) src(%arg10 : memref<400x64xf32, #tpu.memory_space<vmem>>) dst(%dma_wait3A_487 : memref<400x64xf32, #tpu.memory_space<hbm>>)
      } else {
      }
      %dma_wait3A_234 = arith.constant 0 : i32
      %dma_wait3A_235 = arith.constant 2 : i32
      %dma_wait3A_236 = arith.constant 0 : i32
      %dma_wait3A_237 = tpu.memref_slice %arg6[%dma_wait3A_235, %dma_wait3A_236] : memref<4x400xi32, #tpu.memory_space<vmem>> -> memref<1x400xi32, #tpu.memory_space<vmem>>
      %dma_wait3A_238 = tpu.memref_squeeze %dma_wait3A_237 : memref<1x400xi32, #tpu.memory_space<vmem>> -> memref<400xi32, #tpu.memory_space<vmem>>
      %dma_wait3A_239 = arith.constant 0 : i32
      %dma_wait3A_240 = tpu.memref_slice %arg2[%dma_wait3A_234, %dma_wait3A_239] : memref<2048x400xi32, #tpu.memory_space<hbm>> -> memref<1x400xi32, #tpu.memory_space<hbm>>
      %dma_wait3A_241 = tpu.memref_squeeze %dma_wait3A_240 : memref<1x400xi32, #tpu.memory_space<hbm>> -> memref<400xi32, #tpu.memory_space<hbm>>
      %dma_wait3A_242 = arith.constant 0 : i32
      %dma_wait3A_243 = tpu.memref_slice %arg6[%dma_wait3A_235, %dma_wait3A_242] : memref<4x400xi32, #tpu.memory_space<vmem>> -> memref<1x400xi32, #tpu.memory_space<vmem>>
      %dma_wait3A_244 = tpu.memref_squeeze %dma_wait3A_243 : memref<1x400xi32, #tpu.memory_space<vmem>> -> memref<400xi32, #tpu.memory_space<vmem>>
      %dma_wait3A_245 = arith.constant 0 : i32
      %dma_wait3A_246 = tpu.memref_slice %arg2[%dma_wait3A_234, %dma_wait3A_245] : memref<2048x400xi32, #tpu.memory_space<hbm>> -> memref<1x400xi32, #tpu.memory_space<hbm>>
      %dma_wait3A_247 = tpu.memref_squeeze %dma_wait3A_246 : memref<1x400xi32, #tpu.memory_space<hbm>> -> memref<400xi32, #tpu.memory_space<hbm>>
      tpu.wait_dma2 semaphore(%arg14 : memref<!tpu.dma_semaphore, #tpu.memory_space<semaphore_mem>>) src(%dma_wait3A_247 : memref<400xi32, #tpu.memory_space<hbm>>) dst(%dma_wait3A_244 : memref<400xi32, #tpu.memory_space<vmem>>)
      %dma_start3A_248 = arith.constant 2 : i32
      %dma_start3A_249 = arith.constant 0 : i32
      %dma_start3A_250 = arith.constant 0 : i32
      %dma_start3A_251 = tpu.memref_slice %arg10[%dma_start3A_249, %dma_start3A_250] : memref<400x64xf32, #tpu.memory_space<vmem>> -> memref<80x64xf32, #tpu.memory_space<vmem>>
      %dma_start3A_252 = arith.constant 0 : i32
      %dma_start3A_253 = tpu.memref_slice %arg6[%dma_start3A_248, %dma_start3A_252] : memref<4x400xi32, #tpu.memory_space<vmem>> -> memref<1x80xi32, #tpu.memory_space<vmem>>
      %dma_start3A_254 = tpu.memref_squeeze %dma_start3A_253 : memref<1x80xi32, #tpu.memory_space<vmem>> -> memref<80xi32, #tpu.memory_space<vmem>>
      %dma_start3A_255 = arith.constant 0 : i32
      %dma_start3A_256 = arith.constant 0 : i32
      %dma_start3A_257 = tpu.memref_slice %arg3[%dma_start3A_255, %dma_start3A_256] : memref<1000000x64xf32, #tpu.memory_space<hbm>> -> memref<1000000x64xf32, #tpu.memory_space<hbm>>
      tpu.enqueue_indirect_dma source(%dma_start3A_257 : memref<1000000x64xf32, #tpu.memory_space<hbm>>) target(%dma_start3A_251 : memref<80x64xf32, #tpu.memory_space<vmem>>) offsets(%dma_start3A_254 : memref<80xi32, #tpu.memory_space<vmem>>) semaphore(%arg18 : memref<!tpu.dma_semaphore, #tpu.memory_space<semaphore_mem>>)
      %dma_start3A_258 = arith.constant 2 : i32
      %dma_start3A_259 = arith.constant 80 : i32
      %dma_start3A_260 = arith.constant 0 : i32
      %dma_start3A_261 = tpu.memref_slice %arg10[%dma_start3A_259, %dma_start3A_260] : memref<400x64xf32, #tpu.memory_space<vmem>> -> memref<80x64xf32, #tpu.memory_space<vmem>>
      %dma_start3A_262 = arith.constant 80 : i32
      %dma_start3A_263 = tpu.memref_slice %arg6[%dma_start3A_258, %dma_start3A_262] : memref<4x400xi32, #tpu.memory_space<vmem>> -> memref<1x80xi32, #tpu.memory_space<vmem>>
      %dma_start3A_264 = tpu.memref_squeeze %dma_start3A_263 : memref<1x80xi32, #tpu.memory_space<vmem>> -> memref<80xi32, #tpu.memory_space<vmem>>
      %dma_start3A_265 = arith.constant 0 : i32
      %dma_start3A_266 = arith.constant 0 : i32
      %dma_start3A_267 = tpu.memref_slice %arg3[%dma_start3A_265, %dma_start3A_266] : memref<1000000x64xf32, #tpu.memory_space<hbm>> -> memref<1000000x64xf32, #tpu.memory_space<hbm>>
      tpu.enqueue_indirect_dma source(%dma_start3A_267 : memref<1000000x64xf32, #tpu.memory_space<hbm>>) target(%dma_start3A_261 : memref<80x64xf32, #tpu.memory_space<vmem>>) offsets(%dma_start3A_264 : memref<80xi32, #tpu.memory_space<vmem>>) semaphore(%arg18 : memref<!tpu.dma_semaphore, #tpu.memory_space<semaphore_mem>>)
      %dma_start3A_268 = arith.constant 2 : i32
      %dma_start3A_269 = arith.constant 160 : i32
      %dma_start3A_270 = arith.constant 0 : i32
      %dma_start3A_271 = tpu.memref_slice %arg10[%dma_start3A_269, %dma_start3A_270] : memref<400x64xf32, #tpu.memory_space<vmem>> -> memref<80x64xf32, #tpu.memory_space<vmem>>
      %dma_start3A_272 = arith.constant 160 : i32
      %dma_start3A_273 = tpu.memref_slice %arg6[%dma_start3A_268, %dma_start3A_272] : memref<4x400xi32, #tpu.memory_space<vmem>> -> memref<1x80xi32, #tpu.memory_space<vmem>>
      %dma_start3A_274 = tpu.memref_squeeze %dma_start3A_273 : memref<1x80xi32, #tpu.memory_space<vmem>> -> memref<80xi32, #tpu.memory_space<vmem>>
      %dma_start3A_275 = arith.constant 0 : i32
      %dma_start3A_276 = arith.constant 0 : i32
      %dma_start3A_277 = tpu.memref_slice %arg3[%dma_start3A_275, %dma_start3A_276] : memref<1000000x64xf32, #tpu.memory_space<hbm>> -> memref<1000000x64xf32, #tpu.memory_space<hbm>>
      tpu.enqueue_indirect_dma source(%dma_start3A_277 : memref<1000000x64xf32, #tpu.memory_space<hbm>>) target(%dma_start3A_271 : memref<80x64xf32, #tpu.memory_space<vmem>>) offsets(%dma_start3A_274 : memref<80xi32, #tpu.memory_space<vmem>>) semaphore(%arg18 : memref<!tpu.dma_semaphore, #tpu.memory_space<semaphore_mem>>)
      %dma_start3A_278 = arith.constant 2 : i32
      %dma_start3A_279 = arith.constant 240 : i32
      %dma_start3A_280 = arith.constant 0 : i32
      %dma_start3A_281 = tpu.memref_slice %arg10[%dma_start3A_279, %dma_start3A_280] : memref<400x64xf32, #tpu.memory_space<vmem>> -> memref<80x64xf32, #tpu.memory_space<vmem>>
      %dma_start3A_282 = arith.constant 240 : i32
      %dma_start3A_283 = tpu.memref_slice %arg6[%dma_start3A_278, %dma_start3A_282] : memref<4x400xi32, #tpu.memory_space<vmem>> -> memref<1x80xi32, #tpu.memory_space<vmem>>
      %dma_start3A_284 = tpu.memref_squeeze %dma_start3A_283 : memref<1x80xi32, #tpu.memory_space<vmem>> -> memref<80xi32, #tpu.memory_space<vmem>>
      %dma_start3A_285 = arith.constant 0 : i32
      %dma_start3A_286 = arith.constant 0 : i32
      %dma_start3A_287 = tpu.memref_slice %arg3[%dma_start3A_285, %dma_start3A_286] : memref<1000000x64xf32, #tpu.memory_space<hbm>> -> memref<1000000x64xf32, #tpu.memory_space<hbm>>
      tpu.enqueue_indirect_dma source(%dma_start3A_287 : memref<1000000x64xf32, #tpu.memory_space<hbm>>) target(%dma_start3A_281 : memref<80x64xf32, #tpu.memory_space<vmem>>) offsets(%dma_start3A_284 : memref<80xi32, #tpu.memory_space<vmem>>) semaphore(%arg18 : memref<!tpu.dma_semaphore, #tpu.memory_space<semaphore_mem>>)
      %dma_start3A_288 = arith.constant 2 : i32
      %dma_start3A_289 = arith.constant 320 : i32
      %dma_start3A_290 = arith.constant 0 : i32
      %dma_start3A_291 = tpu.memref_slice %arg10[%dma_start3A_289, %dma_start3A_290] : memref<400x64xf32, #tpu.memory_space<vmem>> -> memref<80x64xf32, #tpu.memory_space<vmem>>
      %dma_start3A_292 = arith.constant 320 : i32
      %dma_start3A_293 = tpu.memref_slice %arg6[%dma_start3A_288, %dma_start3A_292] : memref<4x400xi32, #tpu.memory_space<vmem>> -> memref<1x80xi32, #tpu.memory_space<vmem>>
      %dma_start3A_294 = tpu.memref_squeeze %dma_start3A_293 : memref<1x80xi32, #tpu.memory_space<vmem>> -> memref<80xi32, #tpu.memory_space<vmem>>
      %dma_start3A_295 = arith.constant 0 : i32
      %dma_start3A_296 = arith.constant 0 : i32
      %dma_start3A_297 = tpu.memref_slice %arg3[%dma_start3A_295, %dma_start3A_296] : memref<1000000x64xf32, #tpu.memory_space<hbm>> -> memref<1000000x64xf32, #tpu.memory_space<hbm>>
      tpu.enqueue_indirect_dma source(%dma_start3A_297 : memref<1000000x64xf32, #tpu.memory_space<hbm>>) target(%dma_start3A_291 : memref<80x64xf32, #tpu.memory_space<vmem>>) offsets(%dma_start3A_294 : memref<80xi32, #tpu.memory_space<vmem>>) semaphore(%arg18 : memref<!tpu.dma_semaphore, #tpu.memory_space<semaphore_mem>>)
      %gt3A_298 = arith.constant 0 : i32
      %gt3A_299 = arith.cmpi sgt, %add3A_93, %gt3A_298 : i32
      %convert_element_type3A_300 = arith.extui %gt3A_299 : i1 to i32
      %cond3A_301 = arith.constant 0 : i32
      %cond3A_302 = arith.cmpi ne, %convert_element_type3A_300, %cond3A_301 : i32
      scf.if %cond3A_302 {
        %dma_wait3A_482 = arith.constant 0 : i32
        %dma_wait3A_483 = arith.constant 0 : i32
        %dma_wait3A_484 = tpu.memref_slice %arg5[%dma_wait3A_482, %dma_wait3A_483] : memref<819200x64xf32, #tpu.memory_space<hbm>> -> memref<400x64xf32, #tpu.memory_space<hbm>>
        %dma_wait3A_485 = arith.constant 0 : i32
        %dma_wait3A_486 = arith.constant 0 : i32
        %dma_wait3A_487 = tpu.memref_slice %arg5[%dma_wait3A_485, %dma_wait3A_486] : memref<819200x64xf32, #tpu.memory_space<hbm>> -> memref<400x64xf32, #tpu.memory_space<hbm>>
        tpu.wait_dma2 semaphore(%arg23 : memref<!tpu.dma_semaphore, #tpu.memory_space<semaphore_mem>>) src(%arg11 : memref<400x64xf32, #tpu.memory_space<vmem>>) dst(%dma_wait3A_487 : memref<400x64xf32, #tpu.memory_space<hbm>>)
      } else {
      }
      %dma_wait3A_303 = arith.constant 0 : i32
      %dma_wait3A_304 = arith.constant 3 : i32
      %dma_wait3A_305 = arith.constant 0 : i32
      %dma_wait3A_306 = tpu.memref_slice %arg6[%dma_wait3A_304, %dma_wait3A_305] : memref<4x400xi32, #tpu.memory_space<vmem>> -> memref<1x400xi32, #tpu.memory_space<vmem>>
      %dma_wait3A_307 = tpu.memref_squeeze %dma_wait3A_306 : memref<1x400xi32, #tpu.memory_space<vmem>> -> memref<400xi32, #tpu.memory_space<vmem>>
      %dma_wait3A_308 = arith.constant 0 : i32
      %dma_wait3A_309 = tpu.memref_slice %arg2[%dma_wait3A_303, %dma_wait3A_308] : memref<2048x400xi32, #tpu.memory_space<hbm>> -> memref<1x400xi32, #tpu.memory_space<hbm>>
      %dma_wait3A_310 = tpu.memref_squeeze %dma_wait3A_309 : memref<1x400xi32, #tpu.memory_space<hbm>> -> memref<400xi32, #tpu.memory_space<hbm>>
      %dma_wait3A_311 = arith.constant 0 : i32
      %dma_wait3A_312 = tpu.memref_slice %arg6[%dma_wait3A_304, %dma_wait3A_311] : memref<4x400xi32, #tpu.memory_space<vmem>> -> memref<1x400xi32, #tpu.memory_space<vmem>>
      %dma_wait3A_313 = tpu.memref_squeeze %dma_wait3A_312 : memref<1x400xi32, #tpu.memory_space<vmem>> -> memref<400xi32, #tpu.memory_space<vmem>>
      %dma_wait3A_314 = arith.constant 0 : i32
      %dma_wait3A_315 = tpu.memref_slice %arg2[%dma_wait3A_303, %dma_wait3A_314] : memref<2048x400xi32, #tpu.memory_space<hbm>> -> memref<1x400xi32, #tpu.memory_space<hbm>>
      %dma_wait3A_316 = tpu.memref_squeeze %dma_wait3A_315 : memref<1x400xi32, #tpu.memory_space<hbm>> -> memref<400xi32, #tpu.memory_space<hbm>>
      tpu.wait_dma2 semaphore(%arg15 : memref<!tpu.dma_semaphore, #tpu.memory_space<semaphore_mem>>) src(%dma_wait3A_316 : memref<400xi32, #tpu.memory_space<hbm>>) dst(%dma_wait3A_313 : memref<400xi32, #tpu.memory_space<vmem>>)
      %dma_start3A_317 = arith.constant 3 : i32
      %dma_start3A_318 = arith.constant 0 : i32
      %dma_start3A_319 = arith.constant 0 : i32
      %dma_start3A_320 = tpu.memref_slice %arg11[%dma_start3A_318, %dma_start3A_319] : memref<400x64xf32, #tpu.memory_space<vmem>> -> memref<80x64xf32, #tpu.memory_space<vmem>>
      %dma_start3A_321 = arith.constant 0 : i32
      %dma_start3A_322 = tpu.memref_slice %arg6[%dma_start3A_317, %dma_start3A_321] : memref<4x400xi32, #tpu.memory_space<vmem>> -> memref<1x80xi32, #tpu.memory_space<vmem>>
      %dma_start3A_323 = tpu.memref_squeeze %dma_start3A_322 : memref<1x80xi32, #tpu.memory_space<vmem>> -> memref<80xi32, #tpu.memory_space<vmem>>
      %dma_start3A_324 = arith.constant 0 : i32
      %dma_start3A_325 = arith.constant 0 : i32
      %dma_start3A_326 = tpu.memref_slice %arg3[%dma_start3A_324, %dma_start3A_325] : memref<1000000x64xf32, #tpu.memory_space<hbm>> -> memref<1000000x64xf32, #tpu.memory_space<hbm>>
      tpu.enqueue_indirect_dma source(%dma_start3A_326 : memref<1000000x64xf32, #tpu.memory_space<hbm>>) target(%dma_start3A_320 : memref<80x64xf32, #tpu.memory_space<vmem>>) offsets(%dma_start3A_323 : memref<80xi32, #tpu.memory_space<vmem>>) semaphore(%arg19 : memref<!tpu.dma_semaphore, #tpu.memory_space<semaphore_mem>>)
      %dma_start3A_327 = arith.constant 3 : i32
      %dma_start3A_328 = arith.constant 80 : i32
      %dma_start3A_329 = arith.constant 0 : i32
      %dma_start3A_330 = tpu.memref_slice %arg11[%dma_start3A_328, %dma_start3A_329] : memref<400x64xf32, #tpu.memory_space<vmem>> -> memref<80x64xf32, #tpu.memory_space<vmem>>
      %dma_start3A_331 = arith.constant 80 : i32
      %dma_start3A_332 = tpu.memref_slice %arg6[%dma_start3A_327, %dma_start3A_331] : memref<4x400xi32, #tpu.memory_space<vmem>> -> memref<1x80xi32, #tpu.memory_space<vmem>>
      %dma_start3A_333 = tpu.memref_squeeze %dma_start3A_332 : memref<1x80xi32, #tpu.memory_space<vmem>> -> memref<80xi32, #tpu.memory_space<vmem>>
      %dma_start3A_334 = arith.constant 0 : i32
      %dma_start3A_335 = arith.constant 0 : i32
      %dma_start3A_336 = tpu.memref_slice %arg3[%dma_start3A_334, %dma_start3A_335] : memref<1000000x64xf32, #tpu.memory_space<hbm>> -> memref<1000000x64xf32, #tpu.memory_space<hbm>>
      tpu.enqueue_indirect_dma source(%dma_start3A_336 : memref<1000000x64xf32, #tpu.memory_space<hbm>>) target(%dma_start3A_330 : memref<80x64xf32, #tpu.memory_space<vmem>>) offsets(%dma_start3A_333 : memref<80xi32, #tpu.memory_space<vmem>>) semaphore(%arg19 : memref<!tpu.dma_semaphore, #tpu.memory_space<semaphore_mem>>)
      %dma_start3A_337 = arith.constant 3 : i32
      %dma_start3A_338 = arith.constant 160 : i32
      %dma_start3A_339 = arith.constant 0 : i32
      %dma_start3A_340 = tpu.memref_slice %arg11[%dma_start3A_338, %dma_start3A_339] : memref<400x64xf32, #tpu.memory_space<vmem>> -> memref<80x64xf32, #tpu.memory_space<vmem>>
      %dma_start3A_341 = arith.constant 160 : i32
      %dma_start3A_342 = tpu.memref_slice %arg6[%dma_start3A_337, %dma_start3A_341] : memref<4x400xi32, #tpu.memory_space<vmem>> -> memref<1x80xi32, #tpu.memory_space<vmem>>
      %dma_start3A_343 = tpu.memref_squeeze %dma_start3A_342 : memref<1x80xi32, #tpu.memory_space<vmem>> -> memref<80xi32, #tpu.memory_space<vmem>>
      %dma_start3A_344 = arith.constant 0 : i32
      %dma_start3A_345 = arith.constant 0 : i32
      %dma_start3A_346 = tpu.memref_slice %arg3[%dma_start3A_344, %dma_start3A_345] : memref<1000000x64xf32, #tpu.memory_space<hbm>> -> memref<1000000x64xf32, #tpu.memory_space<hbm>>
      tpu.enqueue_indirect_dma source(%dma_start3A_346 : memref<1000000x64xf32, #tpu.memory_space<hbm>>) target(%dma_start3A_340 : memref<80x64xf32, #tpu.memory_space<vmem>>) offsets(%dma_start3A_343 : memref<80xi32, #tpu.memory_space<vmem>>) semaphore(%arg19 : memref<!tpu.dma_semaphore, #tpu.memory_space<semaphore_mem>>)
      %dma_start3A_347 = arith.constant 3 : i32
      %dma_start3A_348 = arith.constant 240 : i32
      %dma_start3A_349 = arith.constant 0 : i32
      %dma_start3A_350 = tpu.memref_slice %arg11[%dma_start3A_348, %dma_start3A_349] : memref<400x64xf32, #tpu.memory_space<vmem>> -> memref<80x64xf32, #tpu.memory_space<vmem>>
      %dma_start3A_351 = arith.constant 240 : i32
      %dma_start3A_352 = tpu.memref_slice %arg6[%dma_start3A_347, %dma_start3A_351] : memref<4x400xi32, #tpu.memory_space<vmem>> -> memref<1x80xi32, #tpu.memory_space<vmem>>
      %dma_start3A_353 = tpu.memref_squeeze %dma_start3A_352 : memref<1x80xi32, #tpu.memory_space<vmem>> -> memref<80xi32, #tpu.memory_space<vmem>>
      %dma_start3A_354 = arith.constant 0 : i32
      %dma_start3A_355 = arith.constant 0 : i32
      %dma_start3A_356 = tpu.memref_slice %arg3[%dma_start3A_354, %dma_start3A_355] : memref<1000000x64xf32, #tpu.memory_space<hbm>> -> memref<1000000x64xf32, #tpu.memory_space<hbm>>
      tpu.enqueue_indirect_dma source(%dma_start3A_356 : memref<1000000x64xf32, #tpu.memory_space<hbm>>) target(%dma_start3A_350 : memref<80x64xf32, #tpu.memory_space<vmem>>) offsets(%dma_start3A_353 : memref<80xi32, #tpu.memory_space<vmem>>) semaphore(%arg19 : memref<!tpu.dma_semaphore, #tpu.memory_space<semaphore_mem>>)
      %dma_start3A_357 = arith.constant 3 : i32
      %dma_start3A_358 = arith.constant 320 : i32
      %dma_start3A_359 = arith.constant 0 : i32
      %dma_start3A_360 = tpu.memref_slice %arg11[%dma_start3A_358, %dma_start3A_359] : memref<400x64xf32, #tpu.memory_space<vmem>> -> memref<80x64xf32, #tpu.memory_space<vmem>>
      %dma_start3A_361 = arith.constant 320 : i32
      %dma_start3A_362 = tpu.memref_slice %arg6[%dma_start3A_357, %dma_start3A_361] : memref<4x400xi32, #tpu.memory_space<vmem>> -> memref<1x80xi32, #tpu.memory_space<vmem>>
      %dma_start3A_363 = tpu.memref_squeeze %dma_start3A_362 : memref<1x80xi32, #tpu.memory_space<vmem>> -> memref<80xi32, #tpu.memory_space<vmem>>
      %dma_start3A_364 = arith.constant 0 : i32
      %dma_start3A_365 = arith.constant 0 : i32
      %dma_start3A_366 = tpu.memref_slice %arg3[%dma_start3A_364, %dma_start3A_365] : memref<1000000x64xf32, #tpu.memory_space<hbm>> -> memref<1000000x64xf32, #tpu.memory_space<hbm>>
      tpu.enqueue_indirect_dma source(%dma_start3A_366 : memref<1000000x64xf32, #tpu.memory_space<hbm>>) target(%dma_start3A_360 : memref<80x64xf32, #tpu.memory_space<vmem>>) offsets(%dma_start3A_363 : memref<80xi32, #tpu.memory_space<vmem>>) semaphore(%arg19 : memref<!tpu.dma_semaphore, #tpu.memory_space<semaphore_mem>>)
      %dma_wait3A_367 = arith.constant 0 : i32
      %dma_wait3A_368 = arith.constant 0 : i32
      %dma_wait3A_369 = tpu.memref_slice %arg3[%dma_wait3A_367, %dma_wait3A_368] : memref<1000000x64xf32, #tpu.memory_space<hbm>> -> memref<400x64xf32, #tpu.memory_space<hbm>>
      %dma_wait3A_370 = arith.constant 0 : i32
      %dma_wait3A_371 = arith.constant 0 : i32
      %dma_wait3A_372 = tpu.memref_slice %arg3[%dma_wait3A_370, %dma_wait3A_371] : memref<1000000x64xf32, #tpu.memory_space<hbm>> -> memref<400x64xf32, #tpu.memory_space<hbm>>
      tpu.wait_dma2 semaphore(%arg16 : memref<!tpu.dma_semaphore, #tpu.memory_space<semaphore_mem>>) src(%dma_wait3A_372 : memref<400x64xf32, #tpu.memory_space<hbm>>) dst(%arg8 : memref<400x64xf32, #tpu.memory_space<vmem>>)
      %scan3A_373 = arith.constant 0 : i32
      %scan3A_374 = arith.constant 200 : i32
      %scan3A_375 = arith.addi %scan3A_373, %scan3A_374 : i32
      %scan3A_376 = arith.constant 1 : i32
      scf.for %scan3A_482 = %scan3A_373 to %scan3A_375 step %scan3A_376  : i32 {
        %mul3A_483 = arith.constant 1 : i32
        %mul3A_484 = arith.muli %scan3A_482, %mul3A_483 : i32
        %add3A_485 = arith.constant 0 : i32
        %add3A_486 = arith.addi %add3A_485, %mul3A_484 : i32
        %get3A = arith.index_cast %add3A_486 : i32 to index
        %get3A_487 = arith.constant 0 : index
        %get3A_488 = tpu.vector_load %arg7[%get3A, %get3A_487] {strides = array<i32>} : memref<200x64xf32, #tpu.memory_space<vmem>>, vector<1x16xf32>,
        %get3A_489 = vector.shape_cast %get3A_488 : vector<1x16xf32> to vector<16xf32>
        %get3A_490 = arith.index_cast %add3A_486 : i32 to index
        %get3A_491 = arith.constant 0 : index
        %get3A_492 = tpu.vector_load %arg8[%get3A_490, %get3A_491] {strides = array<i32>} : memref<400x64xf32, #tpu.memory_space<vmem>>, vector<1x16xf32>,
        %get3A_493 = vector.shape_cast %get3A_492 : vector<1x16xf32> to vector<16xf32>
        %add3A_494 = arith.addf %get3A_493, %get3A_489 : vector<16xf32>
        %swap3A = arith.constant 0 : i32
        %swap3A_495 = tpu.memref_slice %arg8[%add3A_486, %swap3A] : memref<400x64xf32, #tpu.memory_space<vmem>> -> memref<1x64xf32, #tpu.memory_space<vmem>>
        %swap3A_496 = tpu.memref_squeeze %swap3A_495 : memref<1x64xf32, #tpu.memory_space<vmem>> -> memref<64xf32, #tpu.memory_space<vmem>>
        %swap3A_497 = arith.constant 0 : index
        %swap3A_498 = tpu.vector_load %swap3A_496[%swap3A_497] {strides = array<i32>} : memref<64xf32, #tpu.memory_space<vmem>>, vector<16xf32>,
        %swap3A_499 = vector.shape_cast %swap3A_498 : vector<16xf32> to vector<16xf32>
        %swap3A_500 = vector.shape_cast %add3A_494 : vector<16xf32> to vector<16xf32>
        tpu.vector_store %swap3A_496[%swap3A_497], %swap3A_500 {strides = array<i32>} : memref<64xf32, #tpu.memory_space<vmem>>, vector<16xf32>,
        %add3A_501 = arith.constant 200 : i32
        %add3A_502 = arith.addi %add3A_486, %add3A_501 : i32
        %get3A_503 = arith.index_cast %add3A_502 : i32 to index
        %get3A_504 = arith.constant 0 : index
        %get3A_505 = tpu.vector_load %arg8[%get3A_503, %get3A_504] {strides = array<i32>} : memref<400x64xf32, #tpu.memory_space<vmem>>, vector<1x16xf32>,
        %get3A_506 = vector.shape_cast %get3A_505 : vector<1x16xf32> to vector<16xf32>
        %add3A_507 = arith.addf %get3A_506, %get3A_489 : vector<16xf32>
        %add3A_508 = arith.constant 200 : i32
        %add3A_509 = arith.addi %add3A_486, %add3A_508 : i32
        %swap3A_510 = arith.constant 0 : i32
        %swap3A_511 = tpu.memref_slice %arg8[%add3A_509, %swap3A_510] : memref<400x64xf32, #tpu.memory_space<vmem>> -> memref<1x64xf32, #tpu.memory_space<vmem>>
        %swap3A_512 = tpu.memref_squeeze %swap3A_511 : memref<1x64xf32, #tpu.memory_space<vmem>> -> memref<64xf32, #tpu.memory_space<vmem>>
        %swap3A_513 = arith.constant 0 : index
        %swap3A_514 = tpu.vector_load %swap3A_512[%swap3A_513] {strides = array<i32>} : memref<64xf32, #tpu.memory_space<vmem>>, vector<16xf32>,
        %swap3A_515 = vector.shape_cast %swap3A_514 : vector<16xf32> to vector<16xf32>
        %swap3A_516 = vector.shape_cast %add3A_507 : vector<16xf32> to vector<16xf32>
        tpu.vector_store %swap3A_512[%swap3A_513], %swap3A_516 {strides = array<i32>} : memref<64xf32, #tpu.memory_space<vmem>>, vector<16xf32>,
        %get3A_517 = arith.index_cast %add3A_486 : i32 to index
        %get3A_518 = arith.constant 16 : index
        %get3A_519 = tpu.vector_load %arg7[%get3A_517, %get3A_518] {strides = array<i32>} : memref<200x64xf32, #tpu.memory_space<vmem>>, vector<1x16xf32>,
        %get3A_520 = vector.shape_cast %get3A_519 : vector<1x16xf32> to vector<16xf32>
        %get3A_521 = arith.index_cast %add3A_486 : i32 to index
        %get3A_522 = arith.constant 16 : index
        %get3A_523 = tpu.vector_load %arg8[%get3A_521, %get3A_522] {strides = array<i32>} : memref<400x64xf32, #tpu.memory_space<vmem>>, vector<1x16xf32>,
        %get3A_524 = vector.shape_cast %get3A_523 : vector<1x16xf32> to vector<16xf32>
        %add3A_525 = arith.addf %get3A_524, %get3A_520 : vector<16xf32>
        %swap3A_526 = arith.constant 0 : i32
        %swap3A_527 = tpu.memref_slice %arg8[%add3A_486, %swap3A_526] : memref<400x64xf32, #tpu.memory_space<vmem>> -> memref<1x64xf32, #tpu.memory_space<vmem>>
        %swap3A_528 = tpu.memref_squeeze %swap3A_527 : memref<1x64xf32, #tpu.memory_space<vmem>> -> memref<64xf32, #tpu.memory_space<vmem>>
        %swap3A_529 = arith.constant 16 : index
        %swap3A_530 = tpu.vector_load %swap3A_528[%swap3A_529] {strides = array<i32>} : memref<64xf32, #tpu.memory_space<vmem>>, vector<16xf32>,
        %swap3A_531 = vector.shape_cast %swap3A_530 : vector<16xf32> to vector<16xf32>
        %swap3A_532 = vector.shape_cast %add3A_525 : vector<16xf32> to vector<16xf32>
        tpu.vector_store %swap3A_528[%swap3A_529], %swap3A_532 {strides = array<i32>} : memref<64xf32, #tpu.memory_space<vmem>>, vector<16xf32>,
        %add3A_533 = arith.constant 200 : i32
        %add3A_534 = arith.addi %add3A_486, %add3A_533 : i32
        %get3A_535 = arith.index_cast %add3A_534 : i32 to index
        %get3A_536 = arith.constant 16 : index
        %get3A_537 = tpu.vector_load %arg8[%get3A_535, %get3A_536] {strides = array<i32>} : memref<400x64xf32, #tpu.memory_space<vmem>>, vector<1x16xf32>,
        %get3A_538 = vector.shape_cast %get3A_537 : vector<1x16xf32> to vector<16xf32>
        %add3A_539 = arith.addf %get3A_538, %get3A_520 : vector<16xf32>
        %add3A_540 = arith.constant 200 : i32
        %add3A_541 = arith.addi %add3A_486, %add3A_540 : i32
        %swap3A_542 = arith.constant 0 : i32
        %swap3A_543 = tpu.memref_slice %arg8[%add3A_541, %swap3A_542] : memref<400x64xf32, #tpu.memory_space<vmem>> -> memref<1x64xf32, #tpu.memory_space<vmem>>
        %swap3A_544 = tpu.memref_squeeze %swap3A_543 : memref<1x64xf32, #tpu.memory_space<vmem>> -> memref<64xf32, #tpu.memory_space<vmem>>
        %swap3A_545 = arith.constant 16 : index
        %swap3A_546 = tpu.vector_load %swap3A_544[%swap3A_545] {strides = array<i32>} : memref<64xf32, #tpu.memory_space<vmem>>, vector<16xf32>,
        %swap3A_547 = vector.shape_cast %swap3A_546 : vector<16xf32> to vector<16xf32>
        %swap3A_548 = vector.shape_cast %add3A_539 : vector<16xf32> to vector<16xf32>
        tpu.vector_store %swap3A_544[%swap3A_545], %swap3A_548 {strides = array<i32>} : memref<64xf32, #tpu.memory_space<vmem>>, vector<16xf32>,
        %get3A_549 = arith.index_cast %add3A_486 : i32 to index
        %get3A_550 = arith.constant 32 : index
        %get3A_551 = tpu.vector_load %arg7[%get3A_549, %get3A_550] {strides = array<i32>} : memref<200x64xf32, #tpu.memory_space<vmem>>, vector<1x16xf32>,
        %get3A_552 = vector.shape_cast %get3A_551 : vector<1x16xf32> to vector<16xf32>
        %get3A_553 = arith.index_cast %add3A_486 : i32 to index
        %get3A_554 = arith.constant 32 : index
        %get3A_555 = tpu.vector_load %arg8[%get3A_553, %get3A_554] {strides = array<i32>} : memref<400x64xf32, #tpu.memory_space<vmem>>, vector<1x16xf32>,
        %get3A_556 = vector.shape_cast %get3A_555 : vector<1x16xf32> to vector<16xf32>
        %add3A_557 = arith.addf %get3A_556, %get3A_552 : vector<16xf32>
        %swap3A_558 = arith.constant 0 : i32
        %swap3A_559 = tpu.memref_slice %arg8[%add3A_486, %swap3A_558] : memref<400x64xf32, #tpu.memory_space<vmem>> -> memref<1x64xf32, #tpu.memory_space<vmem>>
        %swap3A_560 = tpu.memref_squeeze %swap3A_559 : memref<1x64xf32, #tpu.memory_space<vmem>> -> memref<64xf32, #tpu.memory_space<vmem>>
        %swap3A_561 = arith.constant 32 : index
        %swap3A_562 = tpu.vector_load %swap3A_560[%swap3A_561] {strides = array<i32>} : memref<64xf32, #tpu.memory_space<vmem>>, vector<16xf32>,
        %swap3A_563 = vector.shape_cast %swap3A_562 : vector<16xf32> to vector<16xf32>
        %swap3A_564 = vector.shape_cast %add3A_557 : vector<16xf32> to vector<16xf32>
        tpu.vector_store %swap3A_560[%swap3A_561], %swap3A_564 {strides = array<i32>} : memref<64xf32, #tpu.memory_space<vmem>>, vector<16xf32>,
        %add3A_565 = arith.constant 200 : i32
        %add3A_566 = arith.addi %add3A_486, %add3A_565 : i32
        %get3A_567 = arith.index_cast %add3A_566 : i32 to index
        %get3A_568 = arith.constant 32 : index
        %get3A_569 = tpu.vector_load %arg8[%get3A_567, %get3A_568] {strides = array<i32>} : memref<400x64xf32, #tpu.memory_space<vmem>>, vector<1x16xf32>,
        %get3A_570 = vector.shape_cast %get3A_569 : vector<1x16xf32> to vector<16xf32>
        %add3A_571 = arith.addf %get3A_570, %get3A_552 : vector<16xf32>
        %add3A_572 = arith.constant 200 : i32
        %add3A_573 = arith.addi %add3A_486, %add3A_572 : i32
        %swap3A_574 = arith.constant 0 : i32
        %swap3A_575 = tpu.memref_slice %arg8[%add3A_573, %swap3A_574] : memref<400x64xf32, #tpu.memory_space<vmem>> -> memref<1x64xf32, #tpu.memory_space<vmem>>
        %swap3A_576 = tpu.memref_squeeze %swap3A_575 : memref<1x64xf32, #tpu.memory_space<vmem>> -> memref<64xf32, #tpu.memory_space<vmem>>
        %swap3A_577 = arith.constant 32 : index
        %swap3A_578 = tpu.vector_load %swap3A_576[%swap3A_577] {strides = array<i32>} : memref<64xf32, #tpu.memory_space<vmem>>, vector<16xf32>,
        %swap3A_579 = vector.shape_cast %swap3A_578 : vector<16xf32> to vector<16xf32>
        %swap3A_580 = vector.shape_cast %add3A_571 : vector<16xf32> to vector<16xf32>
        tpu.vector_store %swap3A_576[%swap3A_577], %swap3A_580 {strides = array<i32>} : memref<64xf32, #tpu.memory_space<vmem>>, vector<16xf32>,
        %get3A_581 = arith.index_cast %add3A_486 : i32 to index
        %get3A_582 = arith.constant 48 : index
        %get3A_583 = tpu.vector_load %arg7[%get3A_581, %get3A_582] {strides = array<i32>} : memref<200x64xf32, #tpu.memory_space<vmem>>, vector<1x16xf32>,
        %get3A_584 = vector.shape_cast %get3A_583 : vector<1x16xf32> to vector<16xf32>
        %get3A_585 = arith.index_cast %add3A_486 : i32 to index
        %get3A_586 = arith.constant 48 : index
        %get3A_587 = tpu.vector_load %arg8[%get3A_585, %get3A_586] {strides = array<i32>} : memref<400x64xf32, #tpu.memory_space<vmem>>, vector<1x16xf32>,
        %get3A_588 = vector.shape_cast %get3A_587 : vector<1x16xf32> to vector<16xf32>
        %add3A_589 = arith.addf %get3A_588, %get3A_584 : vector<16xf32>
        %swap3A_590 = arith.constant 0 : i32
        %swap3A_591 = tpu.memref_slice %arg8[%add3A_486, %swap3A_590] : memref<400x64xf32, #tpu.memory_space<vmem>> -> memref<1x64xf32, #tpu.memory_space<vmem>>
        %swap3A_592 = tpu.memref_squeeze %swap3A_591 : memref<1x64xf32, #tpu.memory_space<vmem>> -> memref<64xf32, #tpu.memory_space<vmem>>
        %swap3A_593 = arith.constant 48 : index
        %swap3A_594 = tpu.vector_load %swap3A_592[%swap3A_593] {strides = array<i32>} : memref<64xf32, #tpu.memory_space<vmem>>, vector<16xf32>,
        %swap3A_595 = vector.shape_cast %swap3A_594 : vector<16xf32> to vector<16xf32>
        %swap3A_596 = vector.shape_cast %add3A_589 : vector<16xf32> to vector<16xf32>
        tpu.vector_store %swap3A_592[%swap3A_593], %swap3A_596 {strides = array<i32>} : memref<64xf32, #tpu.memory_space<vmem>>, vector<16xf32>,
        %add3A_597 = arith.constant 200 : i32
        %add3A_598 = arith.addi %add3A_486, %add3A_597 : i32
        %get3A_599 = arith.index_cast %add3A_598 : i32 to index
        %get3A_600 = arith.constant 48 : index
        %get3A_601 = tpu.vector_load %arg8[%get3A_599, %get3A_600] {strides = array<i32>} : memref<400x64xf32, #tpu.memory_space<vmem>>, vector<1x16xf32>,
        %get3A_602 = vector.shape_cast %get3A_601 : vector<1x16xf32> to vector<16xf32>
        %add3A_603 = arith.addf %get3A_602, %get3A_584 : vector<16xf32>
        %add3A_604 = arith.constant 200 : i32
        %add3A_605 = arith.addi %add3A_486, %add3A_604 : i32
        %swap3A_606 = arith.constant 0 : i32
        %swap3A_607 = tpu.memref_slice %arg8[%add3A_605, %swap3A_606] : memref<400x64xf32, #tpu.memory_space<vmem>> -> memref<1x64xf32, #tpu.memory_space<vmem>>
        %swap3A_608 = tpu.memref_squeeze %swap3A_607 : memref<1x64xf32, #tpu.memory_space<vmem>> -> memref<64xf32, #tpu.memory_space<vmem>>
        %swap3A_609 = arith.constant 48 : index
        %swap3A_610 = tpu.vector_load %swap3A_608[%swap3A_609] {strides = array<i32>} : memref<64xf32, #tpu.memory_space<vmem>>, vector<16xf32>,
        %swap3A_611 = vector.shape_cast %swap3A_610 : vector<16xf32> to vector<16xf32>
        %swap3A_612 = vector.shape_cast %add3A_603 : vector<16xf32> to vector<16xf32>
        tpu.vector_store %swap3A_608[%swap3A_609], %swap3A_612 {strides = array<i32>} : memref<64xf32, #tpu.memory_space<vmem>>, vector<16xf32>,
      }
      %scan3A_377 = arith.constant 200 : i32
      %add3A_378 = arith.constant 0 : i32
      %add3A_379 = arith.addi %add3A_93, %add3A_378 : i32
      %add3A_380 = arith.addi %mul3A_2, %add3A_379 : i32
      %mul3A_381 = arith.constant 400 : i32
      %mul3A_382 = arith.muli %add3A_380, %mul3A_381 : i32
      %dma_start3A_383 = arith.constant 0 : i32
      %dma_start3A_384 = tpu.memref_slice %arg5[%mul3A_382, %dma_start3A_383] : memref<819200x64xf32, #tpu.memory_space<hbm>> -> memref<400x64xf32, #tpu.memory_space<hbm>>
      %dma_start3A_385 = arith.constant 0 : i32
      %dma_start3A_386 = tpu.memref_slice %arg5[%mul3A_382, %dma_start3A_385] : memref<819200x64xf32, #tpu.memory_space<hbm>> -> memref<400x64xf32, #tpu.memory_space<hbm>>
      tpu.enqueue_dma source(%arg8 : memref<400x64xf32, #tpu.memory_space<vmem>>) target(%dma_start3A_386 : memref<400x64xf32, #tpu.memory_space<hbm>>) target_semaphore(%arg20 : memref<!tpu.dma_semaphore, #tpu.memory_space<semaphore_mem>>)
      %add3A_387 = arith.constant 0 : i32
      %add3A_388 = arith.addi %add3A_93, %add3A_387 : i32
      %add3A_389 = arith.constant 4 : i32
      %add3A_390 = arith.addi %add3A_388, %add3A_389 : i32
      %lt3A = arith.constant 64 : i32
      %lt3A_391 = arith.cmpi slt, %add3A_390, %lt3A : i32
      %convert_element_type3A_392 = arith.extui %lt3A_391 : i1 to i32
      %cond3A_393 = arith.constant 0 : i32
      %cond3A_394 = arith.cmpi ne, %convert_element_type3A_392, %cond3A_393 : i32
      scf.if %cond3A_394 {
        %add3A_482 = arith.addi %mul3A_2, %add3A_390 : i32
        %dma_start3A_483 = arith.constant 0 : i32
        %dma_start3A_484 = arith.constant 0 : i32
        %dma_start3A_485 = tpu.memref_slice %arg6[%dma_start3A_483, %dma_start3A_484] : memref<4x400xi32, #tpu.memory_space<vmem>> -> memref<1x400xi32, #tpu.memory_space<vmem>>
        %dma_start3A_486 = tpu.memref_squeeze %dma_start3A_485 : memref<1x400xi32, #tpu.memory_space<vmem>> -> memref<400xi32, #tpu.memory_space<vmem>>
        %dma_start3A_487 = arith.constant 0 : i32
        %dma_start3A_488 = tpu.memref_slice %arg2[%add3A_482, %dma_start3A_487] : memref<2048x400xi32, #tpu.memory_space<hbm>> -> memref<1x400xi32, #tpu.memory_space<hbm>>
        %dma_start3A_489 = tpu.memref_squeeze %dma_start3A_488 : memref<1x400xi32, #tpu.memory_space<hbm>> -> memref<400xi32, #tpu.memory_space<hbm>>
        %dma_start3A_490 = arith.constant 0 : i32
        %dma_start3A_491 = tpu.memref_slice %arg6[%dma_start3A_483, %dma_start3A_490] : memref<4x400xi32, #tpu.memory_space<vmem>> -> memref<1x400xi32, #tpu.memory_space<vmem>>
        %dma_start3A_492 = tpu.memref_squeeze %dma_start3A_491 : memref<1x400xi32, #tpu.memory_space<vmem>> -> memref<400xi32, #tpu.memory_space<vmem>>
        %dma_start3A_493 = arith.constant 0 : i32
        %dma_start3A_494 = tpu.memref_slice %arg2[%add3A_482, %dma_start3A_493] : memref<2048x400xi32, #tpu.memory_space<hbm>> -> memref<1x400xi32, #tpu.memory_space<hbm>>
        %dma_start3A_495 = tpu.memref_squeeze %dma_start3A_494 : memref<1x400xi32, #tpu.memory_space<hbm>> -> memref<400xi32, #tpu.memory_space<hbm>>
        tpu.enqueue_dma source(%dma_start3A_495 : memref<400xi32, #tpu.memory_space<hbm>>) target(%dma_start3A_492 : memref<400xi32, #tpu.memory_space<vmem>>) target_semaphore(%arg12 : memref<!tpu.dma_semaphore, #tpu.memory_space<semaphore_mem>>)
      } else {
      }
      %dma_wait3A_395 = arith.constant 0 : i32
      %dma_wait3A_396 = arith.constant 0 : i32
      %dma_wait3A_397 = tpu.memref_slice %arg3[%dma_wait3A_395, %dma_wait3A_396] : memref<1000000x64xf32, #tpu.memory_space<hbm>> -> memref<400x64xf32, #tpu.memory_space<hbm>>
      %dma_wait3A_398 = arith.constant 0 : i32
      %dma_wait3A_399 = arith.constant 0 : i32
      %dma_wait3A_400 = tpu.memref_slice %arg3[%dma_wait3A_398, %dma_wait3A_399] : memref<1000000x64xf32, #tpu.memory_space<hbm>> -> memref<400x64xf32, #tpu.memory_space<hbm>>
      tpu.wait_dma2 semaphore(%arg17 : memref<!tpu.dma_semaphore, #tpu.memory_space<semaphore_mem>>) src(%dma_wait3A_400 : memref<400x64xf32, #tpu.memory_space<hbm>>) dst(%arg9 : memref<400x64xf32, #tpu.memory_space<vmem>>)
      %scan3A_401 = arith.constant 0 : i32
      %scan3A_402 = arith.constant 200 : i32
      %scan3A_403 = arith.addi %scan3A_401, %scan3A_402 : i32
      %scan3A_404 = arith.constant 1 : i32
      scf.for %scan3A_482 = %scan3A_401 to %scan3A_403 step %scan3A_404  : i32 {
        %mul3A_483 = arith.constant 1 : i32
        %mul3A_484 = arith.muli %scan3A_482, %mul3A_483 : i32
        %add3A_485 = arith.constant 0 : i32
        %add3A_486 = arith.addi %add3A_485, %mul3A_484 : i32
        %get3A = arith.index_cast %add3A_486 : i32 to index
        %get3A_487 = arith.constant 0 : index
        %get3A_488 = tpu.vector_load %arg7[%get3A, %get3A_487] {strides = array<i32>} : memref<200x64xf32, #tpu.memory_space<vmem>>, vector<1x16xf32>,
        %get3A_489 = vector.shape_cast %get3A_488 : vector<1x16xf32> to vector<16xf32>
        %get3A_490 = arith.index_cast %add3A_486 : i32 to index
        %get3A_491 = arith.constant 0 : index
        %get3A_492 = tpu.vector_load %arg9[%get3A_490, %get3A_491] {strides = array<i32>} : memref<400x64xf32, #tpu.memory_space<vmem>>, vector<1x16xf32>,
        %get3A_493 = vector.shape_cast %get3A_492 : vector<1x16xf32> to vector<16xf32>
        %add3A_494 = arith.addf %get3A_493, %get3A_489 : vector<16xf32>
        %swap3A = arith.constant 0 : i32
        %swap3A_495 = tpu.memref_slice %arg9[%add3A_486, %swap3A] : memref<400x64xf32, #tpu.memory_space<vmem>> -> memref<1x64xf32, #tpu.memory_space<vmem>>
        %swap3A_496 = tpu.memref_squeeze %swap3A_495 : memref<1x64xf32, #tpu.memory_space<vmem>> -> memref<64xf32, #tpu.memory_space<vmem>>
        %swap3A_497 = arith.constant 0 : index
        %swap3A_498 = tpu.vector_load %swap3A_496[%swap3A_497] {strides = array<i32>} : memref<64xf32, #tpu.memory_space<vmem>>, vector<16xf32>,
        %swap3A_499 = vector.shape_cast %swap3A_498 : vector<16xf32> to vector<16xf32>
        %swap3A_500 = vector.shape_cast %add3A_494 : vector<16xf32> to vector<16xf32>
        tpu.vector_store %swap3A_496[%swap3A_497], %swap3A_500 {strides = array<i32>} : memref<64xf32, #tpu.memory_space<vmem>>, vector<16xf32>,
        %add3A_501 = arith.constant 200 : i32
        %add3A_502 = arith.addi %add3A_486, %add3A_501 : i32
        %get3A_503 = arith.index_cast %add3A_502 : i32 to index
        %get3A_504 = arith.constant 0 : index
        %get3A_505 = tpu.vector_load %arg9[%get3A_503, %get3A_504] {strides = array<i32>} : memref<400x64xf32, #tpu.memory_space<vmem>>, vector<1x16xf32>,
        %get3A_506 = vector.shape_cast %get3A_505 : vector<1x16xf32> to vector<16xf32>
        %add3A_507 = arith.addf %get3A_506, %get3A_489 : vector<16xf32>
        %add3A_508 = arith.constant 200 : i32
        %add3A_509 = arith.addi %add3A_486, %add3A_508 : i32
        %swap3A_510 = arith.constant 0 : i32
        %swap3A_511 = tpu.memref_slice %arg9[%add3A_509, %swap3A_510] : memref<400x64xf32, #tpu.memory_space<vmem>> -> memref<1x64xf32, #tpu.memory_space<vmem>>
        %swap3A_512 = tpu.memref_squeeze %swap3A_511 : memref<1x64xf32, #tpu.memory_space<vmem>> -> memref<64xf32, #tpu.memory_space<vmem>>
        %swap3A_513 = arith.constant 0 : index
        %swap3A_514 = tpu.vector_load %swap3A_512[%swap3A_513] {strides = array<i32>} : memref<64xf32, #tpu.memory_space<vmem>>, vector<16xf32>,
        %swap3A_515 = vector.shape_cast %swap3A_514 : vector<16xf32> to vector<16xf32>
        %swap3A_516 = vector.shape_cast %add3A_507 : vector<16xf32> to vector<16xf32>
        tpu.vector_store %swap3A_512[%swap3A_513], %swap3A_516 {strides = array<i32>} : memref<64xf32, #tpu.memory_space<vmem>>, vector<16xf32>,
        %get3A_517 = arith.index_cast %add3A_486 : i32 to index
        %get3A_518 = arith.constant 16 : index
        %get3A_519 = tpu.vector_load %arg7[%get3A_517, %get3A_518] {strides = array<i32>} : memref<200x64xf32, #tpu.memory_space<vmem>>, vector<1x16xf32>,
        %get3A_520 = vector.shape_cast %get3A_519 : vector<1x16xf32> to vector<16xf32>
        %get3A_521 = arith.index_cast %add3A_486 : i32 to index
        %get3A_522 = arith.constant 16 : index
        %get3A_523 = tpu.vector_load %arg9[%get3A_521, %get3A_522] {strides = array<i32>} : memref<400x64xf32, #tpu.memory_space<vmem>>, vector<1x16xf32>,
        %get3A_524 = vector.shape_cast %get3A_523 : vector<1x16xf32> to vector<16xf32>
        %add3A_525 = arith.addf %get3A_524, %get3A_520 : vector<16xf32>
        %swap3A_526 = arith.constant 0 : i32
        %swap3A_527 = tpu.memref_slice %arg9[%add3A_486, %swap3A_526] : memref<400x64xf32, #tpu.memory_space<vmem>> -> memref<1x64xf32, #tpu.memory_space<vmem>>
        %swap3A_528 = tpu.memref_squeeze %swap3A_527 : memref<1x64xf32, #tpu.memory_space<vmem>> -> memref<64xf32, #tpu.memory_space<vmem>>
        %swap3A_529 = arith.constant 16 : index
        %swap3A_530 = tpu.vector_load %swap3A_528[%swap3A_529] {strides = array<i32>} : memref<64xf32, #tpu.memory_space<vmem>>, vector<16xf32>,
        %swap3A_531 = vector.shape_cast %swap3A_530 : vector<16xf32> to vector<16xf32>
        %swap3A_532 = vector.shape_cast %add3A_525 : vector<16xf32> to vector<16xf32>
        tpu.vector_store %swap3A_528[%swap3A_529], %swap3A_532 {strides = array<i32>} : memref<64xf32, #tpu.memory_space<vmem>>, vector<16xf32>,
        %add3A_533 = arith.constant 200 : i32
        %add3A_534 = arith.addi %add3A_486, %add3A_533 : i32
        %get3A_535 = arith.index_cast %add3A_534 : i32 to index
        %get3A_536 = arith.constant 16 : index
        %get3A_537 = tpu.vector_load %arg9[%get3A_535, %get3A_536] {strides = array<i32>} : memref<400x64xf32, #tpu.memory_space<vmem>>, vector<1x16xf32>,
        %get3A_538 = vector.shape_cast %get3A_537 : vector<1x16xf32> to vector<16xf32>
        %add3A_539 = arith.addf %get3A_538, %get3A_520 : vector<16xf32>
        %add3A_540 = arith.constant 200 : i32
        %add3A_541 = arith.addi %add3A_486, %add3A_540 : i32
        %swap3A_542 = arith.constant 0 : i32
        %swap3A_543 = tpu.memref_slice %arg9[%add3A_541, %swap3A_542] : memref<400x64xf32, #tpu.memory_space<vmem>> -> memref<1x64xf32, #tpu.memory_space<vmem>>
        %swap3A_544 = tpu.memref_squeeze %swap3A_543 : memref<1x64xf32, #tpu.memory_space<vmem>> -> memref<64xf32, #tpu.memory_space<vmem>>
        %swap3A_545 = arith.constant 16 : index
        %swap3A_546 = tpu.vector_load %swap3A_544[%swap3A_545] {strides = array<i32>} : memref<64xf32, #tpu.memory_space<vmem>>, vector<16xf32>,
        %swap3A_547 = vector.shape_cast %swap3A_546 : vector<16xf32> to vector<16xf32>
        %swap3A_548 = vector.shape_cast %add3A_539 : vector<16xf32> to vector<16xf32>
        tpu.vector_store %swap3A_544[%swap3A_545], %swap3A_548 {strides = array<i32>} : memref<64xf32, #tpu.memory_space<vmem>>, vector<16xf32>,
        %get3A_549 = arith.index_cast %add3A_486 : i32 to index
        %get3A_550 = arith.constant 32 : index
        %get3A_551 = tpu.vector_load %arg7[%get3A_549, %get3A_550] {strides = array<i32>} : memref<200x64xf32, #tpu.memory_space<vmem>>, vector<1x16xf32>,
        %get3A_552 = vector.shape_cast %get3A_551 : vector<1x16xf32> to vector<16xf32>
        %get3A_553 = arith.index_cast %add3A_486 : i32 to index
        %get3A_554 = arith.constant 32 : index
        %get3A_555 = tpu.vector_load %arg9[%get3A_553, %get3A_554] {strides = array<i32>} : memref<400x64xf32, #tpu.memory_space<vmem>>, vector<1x16xf32>,
        %get3A_556 = vector.shape_cast %get3A_555 : vector<1x16xf32> to vector<16xf32>
        %add3A_557 = arith.addf %get3A_556, %get3A_552 : vector<16xf32>
        %swap3A_558 = arith.constant 0 : i32
        %swap3A_559 = tpu.memref_slice %arg9[%add3A_486, %swap3A_558] : memref<400x64xf32, #tpu.memory_space<vmem>> -> memref<1x64xf32, #tpu.memory_space<vmem>>
        %swap3A_560 = tpu.memref_squeeze %swap3A_559 : memref<1x64xf32, #tpu.memory_space<vmem>> -> memref<64xf32, #tpu.memory_space<vmem>>
        %swap3A_561 = arith.constant 32 : index
        %swap3A_562 = tpu.vector_load %swap3A_560[%swap3A_561] {strides = array<i32>} : memref<64xf32, #tpu.memory_space<vmem>>, vector<16xf32>,
        %swap3A_563 = vector.shape_cast %swap3A_562 : vector<16xf32> to vector<16xf32>
        %swap3A_564 = vector.shape_cast %add3A_557 : vector<16xf32> to vector<16xf32>
        tpu.vector_store %swap3A_560[%swap3A_561], %swap3A_564 {strides = array<i32>} : memref<64xf32, #tpu.memory_space<vmem>>, vector<16xf32>,
        %add3A_565 = arith.constant 200 : i32
        %add3A_566 = arith.addi %add3A_486, %add3A_565 : i32
        %get3A_567 = arith.index_cast %add3A_566 : i32 to index
        %get3A_568 = arith.constant 32 : index
        %get3A_569 = tpu.vector_load %arg9[%get3A_567, %get3A_568] {strides = array<i32>} : memref<400x64xf32, #tpu.memory_space<vmem>>, vector<1x16xf32>,
        %get3A_570 = vector.shape_cast %get3A_569 : vector<1x16xf32> to vector<16xf32>
        %add3A_571 = arith.addf %get3A_570, %get3A_552 : vector<16xf32>
        %add3A_572 = arith.constant 200 : i32
        %add3A_573 = arith.addi %add3A_486, %add3A_572 : i32
        %swap3A_574 = arith.constant 0 : i32
        %swap3A_575 = tpu.memref_slice %arg9[%add3A_573, %swap3A_574] : memref<400x64xf32, #tpu.memory_space<vmem>> -> memref<1x64xf32, #tpu.memory_space<vmem>>
        %swap3A_576 = tpu.memref_squeeze %swap3A_575 : memref<1x64xf32, #tpu.memory_space<vmem>> -> memref<64xf32, #tpu.memory_space<vmem>>
        %swap3A_577 = arith.constant 32 : index
        %swap3A_578 = tpu.vector_load %swap3A_576[%swap3A_577] {strides = array<i32>} : memref<64xf32, #tpu.memory_space<vmem>>, vector<16xf32>,
        %swap3A_579 = vector.shape_cast %swap3A_578 : vector<16xf32> to vector<16xf32>
        %swap3A_580 = vector.shape_cast %add3A_571 : vector<16xf32> to vector<16xf32>
        tpu.vector_store %swap3A_576[%swap3A_577], %swap3A_580 {strides = array<i32>} : memref<64xf32, #tpu.memory_space<vmem>>, vector<16xf32>,
        %get3A_581 = arith.index_cast %add3A_486 : i32 to index
        %get3A_582 = arith.constant 48 : index
        %get3A_583 = tpu.vector_load %arg7[%get3A_581, %get3A_582] {strides = array<i32>} : memref<200x64xf32, #tpu.memory_space<vmem>>, vector<1x16xf32>,
        %get3A_584 = vector.shape_cast %get3A_583 : vector<1x16xf32> to vector<16xf32>
        %get3A_585 = arith.index_cast %add3A_486 : i32 to index
        %get3A_586 = arith.constant 48 : index
        %get3A_587 = tpu.vector_load %arg9[%get3A_585, %get3A_586] {strides = array<i32>} : memref<400x64xf32, #tpu.memory_space<vmem>>, vector<1x16xf32>,
        %get3A_588 = vector.shape_cast %get3A_587 : vector<1x16xf32> to vector<16xf32>
        %add3A_589 = arith.addf %get3A_588, %get3A_584 : vector<16xf32>
        %swap3A_590 = arith.constant 0 : i32
        %swap3A_591 = tpu.memref_slice %arg9[%add3A_486, %swap3A_590] : memref<400x64xf32, #tpu.memory_space<vmem>> -> memref<1x64xf32, #tpu.memory_space<vmem>>
        %swap3A_592 = tpu.memref_squeeze %swap3A_591 : memref<1x64xf32, #tpu.memory_space<vmem>> -> memref<64xf32, #tpu.memory_space<vmem>>
        %swap3A_593 = arith.constant 48 : index
        %swap3A_594 = tpu.vector_load %swap3A_592[%swap3A_593] {strides = array<i32>} : memref<64xf32, #tpu.memory_space<vmem>>, vector<16xf32>,
        %swap3A_595 = vector.shape_cast %swap3A_594 : vector<16xf32> to vector<16xf32>
        %swap3A_596 = vector.shape_cast %add3A_589 : vector<16xf32> to vector<16xf32>
        tpu.vector_store %swap3A_592[%swap3A_593], %swap3A_596 {strides = array<i32>} : memref<64xf32, #tpu.memory_space<vmem>>, vector<16xf32>,
        %add3A_597 = arith.constant 200 : i32
        %add3A_598 = arith.addi %add3A_486, %add3A_597 : i32
        %get3A_599 = arith.index_cast %add3A_598 : i32 to index
        %get3A_600 = arith.constant 48 : index
        %get3A_601 = tpu.vector_load %arg9[%get3A_599, %get3A_600] {strides = array<i32>} : memref<400x64xf32, #tpu.memory_space<vmem>>, vector<1x16xf32>,
        %get3A_602 = vector.shape_cast %get3A_601 : vector<1x16xf32> to vector<16xf32>
        %add3A_603 = arith.addf %get3A_602, %get3A_584 : vector<16xf32>
        %add3A_604 = arith.constant 200 : i32
        %add3A_605 = arith.addi %add3A_486, %add3A_604 : i32
        %swap3A_606 = arith.constant 0 : i32
        %swap3A_607 = tpu.memref_slice %arg9[%add3A_605, %swap3A_606] : memref<400x64xf32, #tpu.memory_space<vmem>> -> memref<1x64xf32, #tpu.memory_space<vmem>>
        %swap3A_608 = tpu.memref_squeeze %swap3A_607 : memref<1x64xf32, #tpu.memory_space<vmem>> -> memref<64xf32, #tpu.memory_space<vmem>>
        %swap3A_609 = arith.constant 48 : index
        %swap3A_610 = tpu.vector_load %swap3A_608[%swap3A_609] {strides = array<i32>} : memref<64xf32, #tpu.memory_space<vmem>>, vector<16xf32>,
        %swap3A_611 = vector.shape_cast %swap3A_610 : vector<16xf32> to vector<16xf32>
        %swap3A_612 = vector.shape_cast %add3A_603 : vector<16xf32> to vector<16xf32>
        tpu.vector_store %swap3A_608[%swap3A_609], %swap3A_612 {strides = array<i32>} : memref<64xf32, #tpu.memory_space<vmem>>, vector<16xf32>,
      }
      %scan3A_405 = arith.constant 200 : i32
      %add3A_406 = arith.constant 1 : i32
      %add3A_407 = arith.addi %add3A_93, %add3A_406 : i32
      %add3A_408 = arith.addi %mul3A_2, %add3A_407 : i32
      %mul3A_409 = arith.constant 400 : i32
      %mul3A_410 = arith.muli %add3A_408, %mul3A_409 : i32
      %dma_start3A_411 = arith.constant 0 : i32
      %dma_start3A_412 = tpu.memref_slice %arg5[%mul3A_410, %dma_start3A_411] : memref<819200x64xf32, #tpu.memory_space<hbm>> -> memref<400x64xf32, #tpu.memory_space<hbm>>
      %dma_start3A_413 = arith.constant 0 : i32
      %dma_start3A_414 = tpu.memref_slice %arg5[%mul3A_410, %dma_start3A_413] : memref<819200x64xf32, #tpu.memory_space<hbm>> -> memref<400x64xf32, #tpu.memory_space<hbm>>
      tpu.enqueue_dma source(%arg9 : memref<400x64xf32, #tpu.memory_space<vmem>>) target(%dma_start3A_414 : memref<400x64xf32, #tpu.memory_space<hbm>>) target_semaphore(%arg21 : memref<!tpu.dma_semaphore, #tpu.memory_space<semaphore_mem>>)
      %add3A_415 = arith.constant 1 : i32
      %add3A_416 = arith.addi %add3A_93, %add3A_415 : i32
      %add3A_417 = arith.constant 4 : i32
      %add3A_418 = arith.addi %add3A_416, %add3A_417 : i32
      %lt3A_419 = arith.constant 64 : i32
      %lt3A_420 = arith.cmpi slt, %add3A_418, %lt3A_419 : i32
      %convert_element_type3A_421 = arith.extui %lt3A_420 : i1 to i32
      %cond3A_422 = arith.constant 0 : i32
      %cond3A_423 = arith.cmpi ne, %convert_element_type3A_421, %cond3A_422 : i32
      scf.if %cond3A_423 {
        %add3A_482 = arith.addi %mul3A_2, %add3A_418 : i32
        %dma_start3A_483 = arith.constant 1 : i32
        %dma_start3A_484 = arith.constant 0 : i32
        %dma_start3A_485 = tpu.memref_slice %arg6[%dma_start3A_483, %dma_start3A_484] : memref<4x400xi32, #tpu.memory_space<vmem>> -> memref<1x400xi32, #tpu.memory_space<vmem>>
        %dma_start3A_486 = tpu.memref_squeeze %dma_start3A_485 : memref<1x400xi32, #tpu.memory_space<vmem>> -> memref<400xi32, #tpu.memory_space<vmem>>
        %dma_start3A_487 = arith.constant 0 : i32
        %dma_start3A_488 = tpu.memref_slice %arg2[%add3A_482, %dma_start3A_487] : memref<2048x400xi32, #tpu.memory_space<hbm>> -> memref<1x400xi32, #tpu.memory_space<hbm>>
        %dma_start3A_489 = tpu.memref_squeeze %dma_start3A_488 : memref<1x400xi32, #tpu.memory_space<hbm>> -> memref<400xi32, #tpu.memory_space<hbm>>
        %dma_start3A_490 = arith.constant 0 : i32
        %dma_start3A_491 = tpu.memref_slice %arg6[%dma_start3A_483, %dma_start3A_490] : memref<4x400xi32, #tpu.memory_space<vmem>> -> memref<1x400xi32, #tpu.memory_space<vmem>>
        %dma_start3A_492 = tpu.memref_squeeze %dma_start3A_491 : memref<1x400xi32, #tpu.memory_space<vmem>> -> memref<400xi32, #tpu.memory_space<vmem>>
        %dma_start3A_493 = arith.constant 0 : i32
        %dma_start3A_494 = tpu.memref_slice %arg2[%add3A_482, %dma_start3A_493] : memref<2048x400xi32, #tpu.memory_space<hbm>> -> memref<1x400xi32, #tpu.memory_space<hbm>>
        %dma_start3A_495 = tpu.memref_squeeze %dma_start3A_494 : memref<1x400xi32, #tpu.memory_space<hbm>> -> memref<400xi32, #tpu.memory_space<hbm>>
        tpu.enqueue_dma source(%dma_start3A_495 : memref<400xi32, #tpu.memory_space<hbm>>) target(%dma_start3A_492 : memref<400xi32, #tpu.memory_space<vmem>>) target_semaphore(%arg13 : memref<!tpu.dma_semaphore, #tpu.memory_space<semaphore_mem>>)
      } else {
      }
      %dma_wait3A_424 = arith.constant 0 : i32
      %dma_wait3A_425 = arith.constant 0 : i32
      %dma_wait3A_426 = tpu.memref_slice %arg3[%dma_wait3A_424, %dma_wait3A_425] : memref<1000000x64xf32, #tpu.memory_space<hbm>> -> memref<400x64xf32, #tpu.memory_space<hbm>>
      %dma_wait3A_427 = arith.constant 0 : i32
      %dma_wait3A_428 = arith.constant 0 : i32
      %dma_wait3A_429 = tpu.memref_slice %arg3[%dma_wait3A_427, %dma_wait3A_428] : memref<1000000x64xf32, #tpu.memory_space<hbm>> -> memref<400x64xf32, #tpu.memory_space<hbm>>
      tpu.wait_dma2 semaphore(%arg18 : memref<!tpu.dma_semaphore, #tpu.memory_space<semaphore_mem>>) src(%dma_wait3A_429 : memref<400x64xf32, #tpu.memory_space<hbm>>) dst(%arg10 : memref<400x64xf32, #tpu.memory_space<vmem>>)
      %scan3A_430 = arith.constant 0 : i32
      %scan3A_431 = arith.constant 200 : i32
      %scan3A_432 = arith.addi %scan3A_430, %scan3A_431 : i32
      %scan3A_433 = arith.constant 1 : i32
      scf.for %scan3A_482 = %scan3A_430 to %scan3A_432 step %scan3A_433  : i32 {
        %mul3A_483 = arith.constant 1 : i32
        %mul3A_484 = arith.muli %scan3A_482, %mul3A_483 : i32
        %add3A_485 = arith.constant 0 : i32
        %add3A_486 = arith.addi %add3A_485, %mul3A_484 : i32
        %get3A = arith.index_cast %add3A_486 : i32 to index
        %get3A_487 = arith.constant 0 : index
        %get3A_488 = tpu.vector_load %arg7[%get3A, %get3A_487] {strides = array<i32>} : memref<200x64xf32, #tpu.memory_space<vmem>>, vector<1x16xf32>,
        %get3A_489 = vector.shape_cast %get3A_488 : vector<1x16xf32> to vector<16xf32>
        %get3A_490 = arith.index_cast %add3A_486 : i32 to index
        %get3A_491 = arith.constant 0 : index
        %get3A_492 = tpu.vector_load %arg10[%get3A_490, %get3A_491] {strides = array<i32>} : memref<400x64xf32, #tpu.memory_space<vmem>>, vector<1x16xf32>,
        %get3A_493 = vector.shape_cast %get3A_492 : vector<1x16xf32> to vector<16xf32>
        %add3A_494 = arith.addf %get3A_493, %get3A_489 : vector<16xf32>
        %swap3A = arith.constant 0 : i32
        %swap3A_495 = tpu.memref_slice %arg10[%add3A_486, %swap3A] : memref<400x64xf32, #tpu.memory_space<vmem>> -> memref<1x64xf32, #tpu.memory_space<vmem>>
        %swap3A_496 = tpu.memref_squeeze %swap3A_495 : memref<1x64xf32, #tpu.memory_space<vmem>> -> memref<64xf32, #tpu.memory_space<vmem>>
        %swap3A_497 = arith.constant 0 : index
        %swap3A_498 = tpu.vector_load %swap3A_496[%swap3A_497] {strides = array<i32>} : memref<64xf32, #tpu.memory_space<vmem>>, vector<16xf32>,
        %swap3A_499 = vector.shape_cast %swap3A_498 : vector<16xf32> to vector<16xf32>
        %swap3A_500 = vector.shape_cast %add3A_494 : vector<16xf32> to vector<16xf32>
        tpu.vector_store %swap3A_496[%swap3A_497], %swap3A_500 {strides = array<i32>} : memref<64xf32, #tpu.memory_space<vmem>>, vector<16xf32>,
        %add3A_501 = arith.constant 200 : i32
        %add3A_502 = arith.addi %add3A_486, %add3A_501 : i32
        %get3A_503 = arith.index_cast %add3A_502 : i32 to index
        %get3A_504 = arith.constant 0 : index
        %get3A_505 = tpu.vector_load %arg10[%get3A_503, %get3A_504] {strides = array<i32>} : memref<400x64xf32, #tpu.memory_space<vmem>>, vector<1x16xf32>,
        %get3A_506 = vector.shape_cast %get3A_505 : vector<1x16xf32> to vector<16xf32>
        %add3A_507 = arith.addf %get3A_506, %get3A_489 : vector<16xf32>
        %add3A_508 = arith.constant 200 : i32
        %add3A_509 = arith.addi %add3A_486, %add3A_508 : i32
        %swap3A_510 = arith.constant 0 : i32
        %swap3A_511 = tpu.memref_slice %arg10[%add3A_509, %swap3A_510] : memref<400x64xf32, #tpu.memory_space<vmem>> -> memref<1x64xf32, #tpu.memory_space<vmem>>
        %swap3A_512 = tpu.memref_squeeze %swap3A_511 : memref<1x64xf32, #tpu.memory_space<vmem>> -> memref<64xf32, #tpu.memory_space<vmem>>
        %swap3A_513 = arith.constant 0 : index
        %swap3A_514 = tpu.vector_load %swap3A_512[%swap3A_513] {strides = array<i32>} : memref<64xf32, #tpu.memory_space<vmem>>, vector<16xf32>,
        %swap3A_515 = vector.shape_cast %swap3A_514 : vector<16xf32> to vector<16xf32>
        %swap3A_516 = vector.shape_cast %add3A_507 : vector<16xf32> to vector<16xf32>
        tpu.vector_store %swap3A_512[%swap3A_513], %swap3A_516 {strides = array<i32>} : memref<64xf32, #tpu.memory_space<vmem>>, vector<16xf32>,
        %get3A_517 = arith.index_cast %add3A_486 : i32 to index
        %get3A_518 = arith.constant 16 : index
        %get3A_519 = tpu.vector_load %arg7[%get3A_517, %get3A_518] {strides = array<i32>} : memref<200x64xf32, #tpu.memory_space<vmem>>, vector<1x16xf32>,
        %get3A_520 = vector.shape_cast %get3A_519 : vector<1x16xf32> to vector<16xf32>
        %get3A_521 = arith.index_cast %add3A_486 : i32 to index
        %get3A_522 = arith.constant 16 : index
        %get3A_523 = tpu.vector_load %arg10[%get3A_521, %get3A_522] {strides = array<i32>} : memref<400x64xf32, #tpu.memory_space<vmem>>, vector<1x16xf32>,
        %get3A_524 = vector.shape_cast %get3A_523 : vector<1x16xf32> to vector<16xf32>
        %add3A_525 = arith.addf %get3A_524, %get3A_520 : vector<16xf32>
        %swap3A_526 = arith.constant 0 : i32
        %swap3A_527 = tpu.memref_slice %arg10[%add3A_486, %swap3A_526] : memref<400x64xf32, #tpu.memory_space<vmem>> -> memref<1x64xf32, #tpu.memory_space<vmem>>
        %swap3A_528 = tpu.memref_squeeze %swap3A_527 : memref<1x64xf32, #tpu.memory_space<vmem>> -> memref<64xf32, #tpu.memory_space<vmem>>
        %swap3A_529 = arith.constant 16 : index
        %swap3A_530 = tpu.vector_load %swap3A_528[%swap3A_529] {strides = array<i32>} : memref<64xf32, #tpu.memory_space<vmem>>, vector<16xf32>,
        %swap3A_531 = vector.shape_cast %swap3A_530 : vector<16xf32> to vector<16xf32>
        %swap3A_532 = vector.shape_cast %add3A_525 : vector<16xf32> to vector<16xf32>
        tpu.vector_store %swap3A_528[%swap3A_529], %swap3A_532 {strides = array<i32>} : memref<64xf32, #tpu.memory_space<vmem>>, vector<16xf32>,
        %add3A_533 = arith.constant 200 : i32
        %add3A_534 = arith.addi %add3A_486, %add3A_533 : i32
        %get3A_535 = arith.index_cast %add3A_534 : i32 to index
        %get3A_536 = arith.constant 16 : index
        %get3A_537 = tpu.vector_load %arg10[%get3A_535, %get3A_536] {strides = array<i32>} : memref<400x64xf32, #tpu.memory_space<vmem>>, vector<1x16xf32>,
        %get3A_538 = vector.shape_cast %get3A_537 : vector<1x16xf32> to vector<16xf32>
        %add3A_539 = arith.addf %get3A_538, %get3A_520 : vector<16xf32>
        %add3A_540 = arith.constant 200 : i32
        %add3A_541 = arith.addi %add3A_486, %add3A_540 : i32
        %swap3A_542 = arith.constant 0 : i32
        %swap3A_543 = tpu.memref_slice %arg10[%add3A_541, %swap3A_542] : memref<400x64xf32, #tpu.memory_space<vmem>> -> memref<1x64xf32, #tpu.memory_space<vmem>>
        %swap3A_544 = tpu.memref_squeeze %swap3A_543 : memref<1x64xf32, #tpu.memory_space<vmem>> -> memref<64xf32, #tpu.memory_space<vmem>>
        %swap3A_545 = arith.constant 16 : index
        %swap3A_546 = tpu.vector_load %swap3A_544[%swap3A_545] {strides = array<i32>} : memref<64xf32, #tpu.memory_space<vmem>>, vector<16xf32>,
        %swap3A_547 = vector.shape_cast %swap3A_546 : vector<16xf32> to vector<16xf32>
        %swap3A_548 = vector.shape_cast %add3A_539 : vector<16xf32> to vector<16xf32>
        tpu.vector_store %swap3A_544[%swap3A_545], %swap3A_548 {strides = array<i32>} : memref<64xf32, #tpu.memory_space<vmem>>, vector<16xf32>,
        %get3A_549 = arith.index_cast %add3A_486 : i32 to index
        %get3A_550 = arith.constant 32 : index
        %get3A_551 = tpu.vector_load %arg7[%get3A_549, %get3A_550] {strides = array<i32>} : memref<200x64xf32, #tpu.memory_space<vmem>>, vector<1x16xf32>,
        %get3A_552 = vector.shape_cast %get3A_551 : vector<1x16xf32> to vector<16xf32>
        %get3A_553 = arith.index_cast %add3A_486 : i32 to index
        %get3A_554 = arith.constant 32 : index
        %get3A_555 = tpu.vector_load %arg10[%get3A_553, %get3A_554] {strides = array<i32>} : memref<400x64xf32, #tpu.memory_space<vmem>>, vector<1x16xf32>,
        %get3A_556 = vector.shape_cast %get3A_555 : vector<1x16xf32> to vector<16xf32>
        %add3A_557 = arith.addf %get3A_556, %get3A_552 : vector<16xf32>
        %swap3A_558 = arith.constant 0 : i32
        %swap3A_559 = tpu.memref_slice %arg10[%add3A_486, %swap3A_558] : memref<400x64xf32, #tpu.memory_space<vmem>> -> memref<1x64xf32, #tpu.memory_space<vmem>>
        %swap3A_560 = tpu.memref_squeeze %swap3A_559 : memref<1x64xf32, #tpu.memory_space<vmem>> -> memref<64xf32, #tpu.memory_space<vmem>>
        %swap3A_561 = arith.constant 32 : index
        %swap3A_562 = tpu.vector_load %swap3A_560[%swap3A_561] {strides = array<i32>} : memref<64xf32, #tpu.memory_space<vmem>>, vector<16xf32>,
        %swap3A_563 = vector.shape_cast %swap3A_562 : vector<16xf32> to vector<16xf32>
        %swap3A_564 = vector.shape_cast %add3A_557 : vector<16xf32> to vector<16xf32>
        tpu.vector_store %swap3A_560[%swap3A_561], %swap3A_564 {strides = array<i32>} : memref<64xf32, #tpu.memory_space<vmem>>, vector<16xf32>,
        %add3A_565 = arith.constant 200 : i32
        %add3A_566 = arith.addi %add3A_486, %add3A_565 : i32
        %get3A_567 = arith.index_cast %add3A_566 : i32 to index
        %get3A_568 = arith.constant 32 : index
        %get3A_569 = tpu.vector_load %arg10[%get3A_567, %get3A_568] {strides = array<i32>} : memref<400x64xf32, #tpu.memory_space<vmem>>, vector<1x16xf32>,
        %get3A_570 = vector.shape_cast %get3A_569 : vector<1x16xf32> to vector<16xf32>
        %add3A_571 = arith.addf %get3A_570, %get3A_552 : vector<16xf32>
        %add3A_572 = arith.constant 200 : i32
        %add3A_573 = arith.addi %add3A_486, %add3A_572 : i32
        %swap3A_574 = arith.constant 0 : i32
        %swap3A_575 = tpu.memref_slice %arg10[%add3A_573, %swap3A_574] : memref<400x64xf32, #tpu.memory_space<vmem>> -> memref<1x64xf32, #tpu.memory_space<vmem>>
        %swap3A_576 = tpu.memref_squeeze %swap3A_575 : memref<1x64xf32, #tpu.memory_space<vmem>> -> memref<64xf32, #tpu.memory_space<vmem>>
        %swap3A_577 = arith.constant 32 : index
        %swap3A_578 = tpu.vector_load %swap3A_576[%swap3A_577] {strides = array<i32>} : memref<64xf32, #tpu.memory_space<vmem>>, vector<16xf32>,
        %swap3A_579 = vector.shape_cast %swap3A_578 : vector<16xf32> to vector<16xf32>
        %swap3A_580 = vector.shape_cast %add3A_571 : vector<16xf32> to vector<16xf32>
        tpu.vector_store %swap3A_576[%swap3A_577], %swap3A_580 {strides = array<i32>} : memref<64xf32, #tpu.memory_space<vmem>>, vector<16xf32>,
        %get3A_581 = arith.index_cast %add3A_486 : i32 to index
        %get3A_582 = arith.constant 48 : index
        %get3A_583 = tpu.vector_load %arg7[%get3A_581, %get3A_582] {strides = array<i32>} : memref<200x64xf32, #tpu.memory_space<vmem>>, vector<1x16xf32>,
        %get3A_584 = vector.shape_cast %get3A_583 : vector<1x16xf32> to vector<16xf32>
        %get3A_585 = arith.index_cast %add3A_486 : i32 to index
        %get3A_586 = arith.constant 48 : index
        %get3A_587 = tpu.vector_load %arg10[%get3A_585, %get3A_586] {strides = array<i32>} : memref<400x64xf32, #tpu.memory_space<vmem>>, vector<1x16xf32>,
        %get3A_588 = vector.shape_cast %get3A_587 : vector<1x16xf32> to vector<16xf32>
        %add3A_589 = arith.addf %get3A_588, %get3A_584 : vector<16xf32>
        %swap3A_590 = arith.constant 0 : i32
        %swap3A_591 = tpu.memref_slice %arg10[%add3A_486, %swap3A_590] : memref<400x64xf32, #tpu.memory_space<vmem>> -> memref<1x64xf32, #tpu.memory_space<vmem>>
        %swap3A_592 = tpu.memref_squeeze %swap3A_591 : memref<1x64xf32, #tpu.memory_space<vmem>> -> memref<64xf32, #tpu.memory_space<vmem>>
        %swap3A_593 = arith.constant 48 : index
        %swap3A_594 = tpu.vector_load %swap3A_592[%swap3A_593] {strides = array<i32>} : memref<64xf32, #tpu.memory_space<vmem>>, vector<16xf32>,
        %swap3A_595 = vector.shape_cast %swap3A_594 : vector<16xf32> to vector<16xf32>
        %swap3A_596 = vector.shape_cast %add3A_589 : vector<16xf32> to vector<16xf32>
        tpu.vector_store %swap3A_592[%swap3A_593], %swap3A_596 {strides = array<i32>} : memref<64xf32, #tpu.memory_space<vmem>>, vector<16xf32>,
        %add3A_597 = arith.constant 200 : i32
        %add3A_598 = arith.addi %add3A_486, %add3A_597 : i32
        %get3A_599 = arith.index_cast %add3A_598 : i32 to index
        %get3A_600 = arith.constant 48 : index
        %get3A_601 = tpu.vector_load %arg10[%get3A_599, %get3A_600] {strides = array<i32>} : memref<400x64xf32, #tpu.memory_space<vmem>>, vector<1x16xf32>,
        %get3A_602 = vector.shape_cast %get3A_601 : vector<1x16xf32> to vector<16xf32>
        %add3A_603 = arith.addf %get3A_602, %get3A_584 : vector<16xf32>
        %add3A_604 = arith.constant 200 : i32
        %add3A_605 = arith.addi %add3A_486, %add3A_604 : i32
        %swap3A_606 = arith.constant 0 : i32
        %swap3A_607 = tpu.memref_slice %arg10[%add3A_605, %swap3A_606] : memref<400x64xf32, #tpu.memory_space<vmem>> -> memref<1x64xf32, #tpu.memory_space<vmem>>
        %swap3A_608 = tpu.memref_squeeze %swap3A_607 : memref<1x64xf32, #tpu.memory_space<vmem>> -> memref<64xf32, #tpu.memory_space<vmem>>
        %swap3A_609 = arith.constant 48 : index
        %swap3A_610 = tpu.vector_load %swap3A_608[%swap3A_609] {strides = array<i32>} : memref<64xf32, #tpu.memory_space<vmem>>, vector<16xf32>,
        %swap3A_611 = vector.shape_cast %swap3A_610 : vector<16xf32> to vector<16xf32>
        %swap3A_612 = vector.shape_cast %add3A_603 : vector<16xf32> to vector<16xf32>
        tpu.vector_store %swap3A_608[%swap3A_609], %swap3A_612 {strides = array<i32>} : memref<64xf32, #tpu.memory_space<vmem>>, vector<16xf32>,
      }
      %scan3A_434 = arith.constant 200 : i32
      %add3A_435 = arith.constant 2 : i32
      %add3A_436 = arith.addi %add3A_93, %add3A_435 : i32
      %add3A_437 = arith.addi %mul3A_2, %add3A_436 : i32
      %mul3A_438 = arith.constant 400 : i32
      %mul3A_439 = arith.muli %add3A_437, %mul3A_438 : i32
      %dma_start3A_440 = arith.constant 0 : i32
      %dma_start3A_441 = tpu.memref_slice %arg5[%mul3A_439, %dma_start3A_440] : memref<819200x64xf32, #tpu.memory_space<hbm>> -> memref<400x64xf32, #tpu.memory_space<hbm>>
      %dma_start3A_442 = arith.constant 0 : i32
      %dma_start3A_443 = tpu.memref_slice %arg5[%mul3A_439, %dma_start3A_442] : memref<819200x64xf32, #tpu.memory_space<hbm>> -> memref<400x64xf32, #tpu.memory_space<hbm>>
      tpu.enqueue_dma source(%arg10 : memref<400x64xf32, #tpu.memory_space<vmem>>) target(%dma_start3A_443 : memref<400x64xf32, #tpu.memory_space<hbm>>) target_semaphore(%arg22 : memref<!tpu.dma_semaphore, #tpu.memory_space<semaphore_mem>>)
      %add3A_444 = arith.constant 2 : i32
      %add3A_445 = arith.addi %add3A_93, %add3A_444 : i32
      %add3A_446 = arith.constant 4 : i32
      %add3A_447 = arith.addi %add3A_445, %add3A_446 : i32
      %lt3A_448 = arith.constant 64 : i32
      %lt3A_449 = arith.cmpi slt, %add3A_447, %lt3A_448 : i32
      %convert_element_type3A_450 = arith.extui %lt3A_449 : i1 to i32
      %cond3A_451 = arith.constant 0 : i32
      %cond3A_452 = arith.cmpi ne, %convert_element_type3A_450, %cond3A_451 : i32
      scf.if %cond3A_452 {
        %add3A_482 = arith.addi %mul3A_2, %add3A_447 : i32
        %dma_start3A_483 = arith.constant 2 : i32
        %dma_start3A_484 = arith.constant 0 : i32
        %dma_start3A_485 = tpu.memref_slice %arg6[%dma_start3A_483, %dma_start3A_484] : memref<4x400xi32, #tpu.memory_space<vmem>> -> memref<1x400xi32, #tpu.memory_space<vmem>>
        %dma_start3A_486 = tpu.memref_squeeze %dma_start3A_485 : memref<1x400xi32, #tpu.memory_space<vmem>> -> memref<400xi32, #tpu.memory_space<vmem>>
        %dma_start3A_487 = arith.constant 0 : i32
        %dma_start3A_488 = tpu.memref_slice %arg2[%add3A_482, %dma_start3A_487] : memref<2048x400xi32, #tpu.memory_space<hbm>> -> memref<1x400xi32, #tpu.memory_space<hbm>>
        %dma_start3A_489 = tpu.memref_squeeze %dma_start3A_488 : memref<1x400xi32, #tpu.memory_space<hbm>> -> memref<400xi32, #tpu.memory_space<hbm>>
        %dma_start3A_490 = arith.constant 0 : i32
        %dma_start3A_491 = tpu.memref_slice %arg6[%dma_start3A_483, %dma_start3A_490] : memref<4x400xi32, #tpu.memory_space<vmem>> -> memref<1x400xi32, #tpu.memory_space<vmem>>
        %dma_start3A_492 = tpu.memref_squeeze %dma_start3A_491 : memref<1x400xi32, #tpu.memory_space<vmem>> -> memref<400xi32, #tpu.memory_space<vmem>>
        %dma_start3A_493 = arith.constant 0 : i32
        %dma_start3A_494 = tpu.memref_slice %arg2[%add3A_482, %dma_start3A_493] : memref<2048x400xi32, #tpu.memory_space<hbm>> -> memref<1x400xi32, #tpu.memory_space<hbm>>
        %dma_start3A_495 = tpu.memref_squeeze %dma_start3A_494 : memref<1x400xi32, #tpu.memory_space<hbm>> -> memref<400xi32, #tpu.memory_space<hbm>>
        tpu.enqueue_dma source(%dma_start3A_495 : memref<400xi32, #tpu.memory_space<hbm>>) target(%dma_start3A_492 : memref<400xi32, #tpu.memory_space<vmem>>) target_semaphore(%arg14 : memref<!tpu.dma_semaphore, #tpu.memory_space<semaphore_mem>>)
      } else {
      }
      %dma_wait3A_453 = arith.constant 0 : i32
      %dma_wait3A_454 = arith.constant 0 : i32
      %dma_wait3A_455 = tpu.memref_slice %arg3[%dma_wait3A_453, %dma_wait3A_454] : memref<1000000x64xf32, #tpu.memory_space<hbm>> -> memref<400x64xf32, #tpu.memory_space<hbm>>
      %dma_wait3A_456 = arith.constant 0 : i32
      %dma_wait3A_457 = arith.constant 0 : i32
      %dma_wait3A_458 = tpu.memref_slice %arg3[%dma_wait3A_456, %dma_wait3A_457] : memref<1000000x64xf32, #tpu.memory_space<hbm>> -> memref<400x64xf32, #tpu.memory_space<hbm>>
      tpu.wait_dma2 semaphore(%arg19 : memref<!tpu.dma_semaphore, #tpu.memory_space<semaphore_mem>>) src(%dma_wait3A_458 : memref<400x64xf32, #tpu.memory_space<hbm>>) dst(%arg11 : memref<400x64xf32, #tpu.memory_space<vmem>>)
      %scan3A_459 = arith.constant 0 : i32
      %scan3A_460 = arith.constant 200 : i32
      %scan3A_461 = arith.addi %scan3A_459, %scan3A_460 : i32
      %scan3A_462 = arith.constant 1 : i32
      scf.for %scan3A_482 = %scan3A_459 to %scan3A_461 step %scan3A_462  : i32 {
        %mul3A_483 = arith.constant 1 : i32
        %mul3A_484 = arith.muli %scan3A_482, %mul3A_483 : i32
        %add3A_485 = arith.constant 0 : i32
        %add3A_486 = arith.addi %add3A_485, %mul3A_484 : i32
        %get3A = arith.index_cast %add3A_486 : i32 to index
        %get3A_487 = arith.constant 0 : index
        %get3A_488 = tpu.vector_load %arg7[%get3A, %get3A_487] {strides = array<i32>} : memref<200x64xf32, #tpu.memory_space<vmem>>, vector<1x16xf32>,
        %get3A_489 = vector.shape_cast %get3A_488 : vector<1x16xf32> to vector<16xf32>
        %get3A_490 = arith.index_cast %add3A_486 : i32 to index
        %get3A_491 = arith.constant 0 : index
        %get3A_492 = tpu.vector_load %arg11[%get3A_490, %get3A_491] {strides = array<i32>} : memref<400x64xf32, #tpu.memory_space<vmem>>, vector<1x16xf32>,
        %get3A_493 = vector.shape_cast %get3A_492 : vector<1x16xf32> to vector<16xf32>
        %add3A_494 = arith.addf %get3A_493, %get3A_489 : vector<16xf32>
        %swap3A = arith.constant 0 : i32
        %swap3A_495 = tpu.memref_slice %arg11[%add3A_486, %swap3A] : memref<400x64xf32, #tpu.memory_space<vmem>> -> memref<1x64xf32, #tpu.memory_space<vmem>>
        %swap3A_496 = tpu.memref_squeeze %swap3A_495 : memref<1x64xf32, #tpu.memory_space<vmem>> -> memref<64xf32, #tpu.memory_space<vmem>>
        %swap3A_497 = arith.constant 0 : index
        %swap3A_498 = tpu.vector_load %swap3A_496[%swap3A_497] {strides = array<i32>} : memref<64xf32, #tpu.memory_space<vmem>>, vector<16xf32>,
        %swap3A_499 = vector.shape_cast %swap3A_498 : vector<16xf32> to vector<16xf32>
        %swap3A_500 = vector.shape_cast %add3A_494 : vector<16xf32> to vector<16xf32>
        tpu.vector_store %swap3A_496[%swap3A_497], %swap3A_500 {strides = array<i32>} : memref<64xf32, #tpu.memory_space<vmem>>, vector<16xf32>,
        %add3A_501 = arith.constant 200 : i32
        %add3A_502 = arith.addi %add3A_486, %add3A_501 : i32
        %get3A_503 = arith.index_cast %add3A_502 : i32 to index
        %get3A_504 = arith.constant 0 : index
        %get3A_505 = tpu.vector_load %arg11[%get3A_503, %get3A_504] {strides = array<i32>} : memref<400x64xf32, #tpu.memory_space<vmem>>, vector<1x16xf32>,
        %get3A_506 = vector.shape_cast %get3A_505 : vector<1x16xf32> to vector<16xf32>
        %add3A_507 = arith.addf %get3A_506, %get3A_489 : vector<16xf32>
        %add3A_508 = arith.constant 200 : i32
        %add3A_509 = arith.addi %add3A_486, %add3A_508 : i32
        %swap3A_510 = arith.constant 0 : i32
        %swap3A_511 = tpu.memref_slice %arg11[%add3A_509, %swap3A_510] : memref<400x64xf32, #tpu.memory_space<vmem>> -> memref<1x64xf32, #tpu.memory_space<vmem>>
        %swap3A_512 = tpu.memref_squeeze %swap3A_511 : memref<1x64xf32, #tpu.memory_space<vmem>> -> memref<64xf32, #tpu.memory_space<vmem>>
        %swap3A_513 = arith.constant 0 : index
        %swap3A_514 = tpu.vector_load %swap3A_512[%swap3A_513] {strides = array<i32>} : memref<64xf32, #tpu.memory_space<vmem>>, vector<16xf32>,
        %swap3A_515 = vector.shape_cast %swap3A_514 : vector<16xf32> to vector<16xf32>
        %swap3A_516 = vector.shape_cast %add3A_507 : vector<16xf32> to vector<16xf32>
        tpu.vector_store %swap3A_512[%swap3A_513], %swap3A_516 {strides = array<i32>} : memref<64xf32, #tpu.memory_space<vmem>>, vector<16xf32>,
        %get3A_517 = arith.index_cast %add3A_486 : i32 to index
        %get3A_518 = arith.constant 16 : index
        %get3A_519 = tpu.vector_load %arg7[%get3A_517, %get3A_518] {strides = array<i32>} : memref<200x64xf32, #tpu.memory_space<vmem>>, vector<1x16xf32>,
        %get3A_520 = vector.shape_cast %get3A_519 : vector<1x16xf32> to vector<16xf32>
        %get3A_521 = arith.index_cast %add3A_486 : i32 to index
        %get3A_522 = arith.constant 16 : index
        %get3A_523 = tpu.vector_load %arg11[%get3A_521, %get3A_522] {strides = array<i32>} : memref<400x64xf32, #tpu.memory_space<vmem>>, vector<1x16xf32>,
        %get3A_524 = vector.shape_cast %get3A_523 : vector<1x16xf32> to vector<16xf32>
        %add3A_525 = arith.addf %get3A_524, %get3A_520 : vector<16xf32>
        %swap3A_526 = arith.constant 0 : i32
        %swap3A_527 = tpu.memref_slice %arg11[%add3A_486, %swap3A_526] : memref<400x64xf32, #tpu.memory_space<vmem>> -> memref<1x64xf32, #tpu.memory_space<vmem>>
        %swap3A_528 = tpu.memref_squeeze %swap3A_527 : memref<1x64xf32, #tpu.memory_space<vmem>> -> memref<64xf32, #tpu.memory_space<vmem>>
        %swap3A_529 = arith.constant 16 : index
        %swap3A_530 = tpu.vector_load %swap3A_528[%swap3A_529] {strides = array<i32>} : memref<64xf32, #tpu.memory_space<vmem>>, vector<16xf32>,
        %swap3A_531 = vector.shape_cast %swap3A_530 : vector<16xf32> to vector<16xf32>
        %swap3A_532 = vector.shape_cast %add3A_525 : vector<16xf32> to vector<16xf32>
        tpu.vector_store %swap3A_528[%swap3A_529], %swap3A_532 {strides = array<i32>} : memref<64xf32, #tpu.memory_space<vmem>>, vector<16xf32>,
        %add3A_533 = arith.constant 200 : i32
        %add3A_534 = arith.addi %add3A_486, %add3A_533 : i32
        %get3A_535 = arith.index_cast %add3A_534 : i32 to index
        %get3A_536 = arith.constant 16 : index
        %get3A_537 = tpu.vector_load %arg11[%get3A_535, %get3A_536] {strides = array<i32>} : memref<400x64xf32, #tpu.memory_space<vmem>>, vector<1x16xf32>,
        %get3A_538 = vector.shape_cast %get3A_537 : vector<1x16xf32> to vector<16xf32>
        %add3A_539 = arith.addf %get3A_538, %get3A_520 : vector<16xf32>
        %add3A_540 = arith.constant 200 : i32
        %add3A_541 = arith.addi %add3A_486, %add3A_540 : i32
        %swap3A_542 = arith.constant 0 : i32
        %swap3A_543 = tpu.memref_slice %arg11[%add3A_541, %swap3A_542] : memref<400x64xf32, #tpu.memory_space<vmem>> -> memref<1x64xf32, #tpu.memory_space<vmem>>
        %swap3A_544 = tpu.memref_squeeze %swap3A_543 : memref<1x64xf32, #tpu.memory_space<vmem>> -> memref<64xf32, #tpu.memory_space<vmem>>
        %swap3A_545 = arith.constant 16 : index
        %swap3A_546 = tpu.vector_load %swap3A_544[%swap3A_545] {strides = array<i32>} : memref<64xf32, #tpu.memory_space<vmem>>, vector<16xf32>,
        %swap3A_547 = vector.shape_cast %swap3A_546 : vector<16xf32> to vector<16xf32>
        %swap3A_548 = vector.shape_cast %add3A_539 : vector<16xf32> to vector<16xf32>
        tpu.vector_store %swap3A_544[%swap3A_545], %swap3A_548 {strides = array<i32>} : memref<64xf32, #tpu.memory_space<vmem>>, vector<16xf32>,
        %get3A_549 = arith.index_cast %add3A_486 : i32 to index
        %get3A_550 = arith.constant 32 : index
        %get3A_551 = tpu.vector_load %arg7[%get3A_549, %get3A_550] {strides = array<i32>} : memref<200x64xf32, #tpu.memory_space<vmem>>, vector<1x16xf32>,
        %get3A_552 = vector.shape_cast %get3A_551 : vector<1x16xf32> to vector<16xf32>
        %get3A_553 = arith.index_cast %add3A_486 : i32 to index
        %get3A_554 = arith.constant 32 : index
        %get3A_555 = tpu.vector_load %arg11[%get3A_553, %get3A_554] {strides = array<i32>} : memref<400x64xf32, #tpu.memory_space<vmem>>, vector<1x16xf32>,
        %get3A_556 = vector.shape_cast %get3A_555 : vector<1x16xf32> to vector<16xf32>
        %add3A_557 = arith.addf %get3A_556, %get3A_552 : vector<16xf32>
        %swap3A_558 = arith.constant 0 : i32
        %swap3A_559 = tpu.memref_slice %arg11[%add3A_486, %swap3A_558] : memref<400x64xf32, #tpu.memory_space<vmem>> -> memref<1x64xf32, #tpu.memory_space<vmem>>
        %swap3A_560 = tpu.memref_squeeze %swap3A_559 : memref<1x64xf32, #tpu.memory_space<vmem>> -> memref<64xf32, #tpu.memory_space<vmem>>
        %swap3A_561 = arith.constant 32 : index
        %swap3A_562 = tpu.vector_load %swap3A_560[%swap3A_561] {strides = array<i32>} : memref<64xf32, #tpu.memory_space<vmem>>, vector<16xf32>,
        %swap3A_563 = vector.shape_cast %swap3A_562 : vector<16xf32> to vector<16xf32>
        %swap3A_564 = vector.shape_cast %add3A_557 : vector<16xf32> to vector<16xf32>
        tpu.vector_store %swap3A_560[%swap3A_561], %swap3A_564 {strides = array<i32>} : memref<64xf32, #tpu.memory_space<vmem>>, vector<16xf32>,
        %add3A_565 = arith.constant 200 : i32
        %add3A_566 = arith.addi %add3A_486, %add3A_565 : i32
        %get3A_567 = arith.index_cast %add3A_566 : i32 to index
        %get3A_568 = arith.constant 32 : index
        %get3A_569 = tpu.vector_load %arg11[%get3A_567, %get3A_568] {strides = array<i32>} : memref<400x64xf32, #tpu.memory_space<vmem>>, vector<1x16xf32>,
        %get3A_570 = vector.shape_cast %get3A_569 : vector<1x16xf32> to vector<16xf32>
        %add3A_571 = arith.addf %get3A_570, %get3A_552 : vector<16xf32>
        %add3A_572 = arith.constant 200 : i32
        %add3A_573 = arith.addi %add3A_486, %add3A_572 : i32
        %swap3A_574 = arith.constant 0 : i32
        %swap3A_575 = tpu.memref_slice %arg11[%add3A_573, %swap3A_574] : memref<400x64xf32, #tpu.memory_space<vmem>> -> memref<1x64xf32, #tpu.memory_space<vmem>>
        %swap3A_576 = tpu.memref_squeeze %swap3A_575 : memref<1x64xf32, #tpu.memory_space<vmem>> -> memref<64xf32, #tpu.memory_space<vmem>>
        %swap3A_577 = arith.constant 32 : index
        %swap3A_578 = tpu.vector_load %swap3A_576[%swap3A_577] {strides = array<i32>} : memref<64xf32, #tpu.memory_space<vmem>>, vector<16xf32>,
        %swap3A_579 = vector.shape_cast %swap3A_578 : vector<16xf32> to vector<16xf32>
        %swap3A_580 = vector.shape_cast %add3A_571 : vector<16xf32> to vector<16xf32>
        tpu.vector_store %swap3A_576[%swap3A_577], %swap3A_580 {strides = array<i32>} : memref<64xf32, #tpu.memory_space<vmem>>, vector<16xf32>,
        %get3A_581 = arith.index_cast %add3A_486 : i32 to index
        %get3A_582 = arith.constant 48 : index
        %get3A_583 = tpu.vector_load %arg7[%get3A_581, %get3A_582] {strides = array<i32>} : memref<200x64xf32, #tpu.memory_space<vmem>>, vector<1x16xf32>,
        %get3A_584 = vector.shape_cast %get3A_583 : vector<1x16xf32> to vector<16xf32>
        %get3A_585 = arith.index_cast %add3A_486 : i32 to index
        %get3A_586 = arith.constant 48 : index
        %get3A_587 = tpu.vector_load %arg11[%get3A_585, %get3A_586] {strides = array<i32>} : memref<400x64xf32, #tpu.memory_space<vmem>>, vector<1x16xf32>,
        %get3A_588 = vector.shape_cast %get3A_587 : vector<1x16xf32> to vector<16xf32>
        %add3A_589 = arith.addf %get3A_588, %get3A_584 : vector<16xf32>
        %swap3A_590 = arith.constant 0 : i32
        %swap3A_591 = tpu.memref_slice %arg11[%add3A_486, %swap3A_590] : memref<400x64xf32, #tpu.memory_space<vmem>> -> memref<1x64xf32, #tpu.memory_space<vmem>>
        %swap3A_592 = tpu.memref_squeeze %swap3A_591 : memref<1x64xf32, #tpu.memory_space<vmem>> -> memref<64xf32, #tpu.memory_space<vmem>>
        %swap3A_593 = arith.constant 48 : index
        %swap3A_594 = tpu.vector_load %swap3A_592[%swap3A_593] {strides = array<i32>} : memref<64xf32, #tpu.memory_space<vmem>>, vector<16xf32>,
        %swap3A_595 = vector.shape_cast %swap3A_594 : vector<16xf32> to vector<16xf32>
        %swap3A_596 = vector.shape_cast %add3A_589 : vector<16xf32> to vector<16xf32>
        tpu.vector_store %swap3A_592[%swap3A_593], %swap3A_596 {strides = array<i32>} : memref<64xf32, #tpu.memory_space<vmem>>, vector<16xf32>,
        %add3A_597 = arith.constant 200 : i32
        %add3A_598 = arith.addi %add3A_486, %add3A_597 : i32
        %get3A_599 = arith.index_cast %add3A_598 : i32 to index
        %get3A_600 = arith.constant 48 : index
        %get3A_601 = tpu.vector_load %arg11[%get3A_599, %get3A_600] {strides = array<i32>} : memref<400x64xf32, #tpu.memory_space<vmem>>, vector<1x16xf32>,
        %get3A_602 = vector.shape_cast %get3A_601 : vector<1x16xf32> to vector<16xf32>
        %add3A_603 = arith.addf %get3A_602, %get3A_584 : vector<16xf32>
        %add3A_604 = arith.constant 200 : i32
        %add3A_605 = arith.addi %add3A_486, %add3A_604 : i32
        %swap3A_606 = arith.constant 0 : i32
        %swap3A_607 = tpu.memref_slice %arg11[%add3A_605, %swap3A_606] : memref<400x64xf32, #tpu.memory_space<vmem>> -> memref<1x64xf32, #tpu.memory_space<vmem>>
        %swap3A_608 = tpu.memref_squeeze %swap3A_607 : memref<1x64xf32, #tpu.memory_space<vmem>> -> memref<64xf32, #tpu.memory_space<vmem>>
        %swap3A_609 = arith.constant 48 : index
        %swap3A_610 = tpu.vector_load %swap3A_608[%swap3A_609] {strides = array<i32>} : memref<64xf32, #tpu.memory_space<vmem>>, vector<16xf32>,
        %swap3A_611 = vector.shape_cast %swap3A_610 : vector<16xf32> to vector<16xf32>
        %swap3A_612 = vector.shape_cast %add3A_603 : vector<16xf32> to vector<16xf32>
        tpu.vector_store %swap3A_608[%swap3A_609], %swap3A_612 {strides = array<i32>} : memref<64xf32, #tpu.memory_space<vmem>>, vector<16xf32>,
      }
      %scan3A_463 = arith.constant 200 : i32
      %add3A_464 = arith.constant 3 : i32
      %add3A_465 = arith.addi %add3A_93, %add3A_464 : i32
      %add3A_466 = arith.addi %mul3A_2, %add3A_465 : i32
      %mul3A_467 = arith.constant 400 : i32
      %mul3A_468 = arith.muli %add3A_466, %mul3A_467 : i32
      %dma_start3A_469 = arith.constant 0 : i32
      %dma_start3A_470 = tpu.memref_slice %arg5[%mul3A_468, %dma_start3A_469] : memref<819200x64xf32, #tpu.memory_space<hbm>> -> memref<400x64xf32, #tpu.memory_space<hbm>>
      %dma_start3A_471 = arith.constant 0 : i32
      %dma_start3A_472 = tpu.memref_slice %arg5[%mul3A_468, %dma_start3A_471] : memref<819200x64xf32, #tpu.memory_space<hbm>> -> memref<400x64xf32, #tpu.memory_space<hbm>>
      tpu.enqueue_dma source(%arg11 : memref<400x64xf32, #tpu.memory_space<vmem>>) target(%dma_start3A_472 : memref<400x64xf32, #tpu.memory_space<hbm>>) target_semaphore(%arg23 : memref<!tpu.dma_semaphore, #tpu.memory_space<semaphore_mem>>)
      %add3A_473 = arith.constant 3 : i32
      %add3A_474 = arith.addi %add3A_93, %add3A_473 : i32
      %add3A_475 = arith.constant 4 : i32
      %add3A_476 = arith.addi %add3A_474, %add3A_475 : i32
      %lt3A_477 = arith.constant 64 : i32
      %lt3A_478 = arith.cmpi slt, %add3A_476, %lt3A_477 : i32
      %convert_element_type3A_479 = arith.extui %lt3A_478 : i1 to i32
      %cond3A_480 = arith.constant 0 : i32
      %cond3A_481 = arith.cmpi ne, %convert_element_type3A_479, %cond3A_480 : i32
      scf.if %cond3A_481 {
        %add3A_482 = arith.addi %mul3A_2, %add3A_476 : i32
        %dma_start3A_483 = arith.constant 3 : i32
        %dma_start3A_484 = arith.constant 0 : i32
        %dma_start3A_485 = tpu.memref_slice %arg6[%dma_start3A_483, %dma_start3A_484] : memref<4x400xi32, #tpu.memory_space<vmem>> -> memref<1x400xi32, #tpu.memory_space<vmem>>
        %dma_start3A_486 = tpu.memref_squeeze %dma_start3A_485 : memref<1x400xi32, #tpu.memory_space<vmem>> -> memref<400xi32, #tpu.memory_space<vmem>>
        %dma_start3A_487 = arith.constant 0 : i32
        %dma_start3A_488 = tpu.memref_slice %arg2[%add3A_482, %dma_start3A_487] : memref<2048x400xi32, #tpu.memory_space<hbm>> -> memref<1x400xi32, #tpu.memory_space<hbm>>
        %dma_start3A_489 = tpu.memref_squeeze %dma_start3A_488 : memref<1x400xi32, #tpu.memory_space<hbm>> -> memref<400xi32, #tpu.memory_space<hbm>>
        %dma_start3A_490 = arith.constant 0 : i32
        %dma_start3A_491 = tpu.memref_slice %arg6[%dma_start3A_483, %dma_start3A_490] : memref<4x400xi32, #tpu.memory_space<vmem>> -> memref<1x400xi32, #tpu.memory_space<vmem>>
        %dma_start3A_492 = tpu.memref_squeeze %dma_start3A_491 : memref<1x400xi32, #tpu.memory_space<vmem>> -> memref<400xi32, #tpu.memory_space<vmem>>
        %dma_start3A_493 = arith.constant 0 : i32
        %dma_start3A_494 = tpu.memref_slice %arg2[%add3A_482, %dma_start3A_493] : memref<2048x400xi32, #tpu.memory_space<hbm>> -> memref<1x400xi32, #tpu.memory_space<hbm>>
        %dma_start3A_495 = tpu.memref_squeeze %dma_start3A_494 : memref<1x400xi32, #tpu.memory_space<hbm>> -> memref<400xi32, #tpu.memory_space<hbm>>
        tpu.enqueue_dma source(%dma_start3A_495 : memref<400xi32, #tpu.memory_space<hbm>>) target(%dma_start3A_492 : memref<400xi32, #tpu.memory_space<vmem>>) target_semaphore(%arg15 : memref<!tpu.dma_semaphore, #tpu.memory_space<semaphore_mem>>)
      } else {
      }
    }
    %scan3A_65 = arith.constant 16 : i32
    %dma_wait3A = arith.constant 0 : i32
    %dma_wait3A_66 = arith.constant 0 : i32
    %dma_wait3A_67 = tpu.memref_slice %arg5[%dma_wait3A, %dma_wait3A_66] : memref<819200x64xf32, #tpu.memory_space<hbm>> -> memref<400x64xf32, #tpu.memory_space<hbm>>
    %dma_wait3A_68 = arith.constant 0 : i32
    %dma_wait3A_69 = arith.constant 0 : i32
    %dma_wait3A_70 = tpu.memref_slice %arg5[%dma_wait3A_68, %dma_wait3A_69] : memref<819200x64xf32, #tpu.memory_space<hbm>> -> memref<400x64xf32, #tpu.memory_space<hbm>>
    tpu.wait_dma2 semaphore(%arg20 : memref<!tpu.dma_semaphore, #tpu.memory_space<semaphore_mem>>) src(%arg8 : memref<400x64xf32, #tpu.memory_space<vmem>>) dst(%dma_wait3A_70 : memref<400x64xf32, #tpu.memory_space<hbm>>)
    %dma_wait3A_71 = arith.constant 0 : i32
    %dma_wait3A_72 = arith.constant 0 : i32
    %dma_wait3A_73 = tpu.memref_slice %arg5[%dma_wait3A_71, %dma_wait3A_72] : memref<819200x64xf32, #tpu.memory_space<hbm>> -> memref<400x64xf32, #tpu.memory_space<hbm>>
    %dma_wait3A_74 = arith.constant 0 : i32
    %dma_wait3A_75 = arith.constant 0 : i32
    %dma_wait3A_76 = tpu.memref_slice %arg5[%dma_wait3A_74, %dma_wait3A_75] : memref<819200x64xf32, #tpu.memory_space<hbm>> -> memref<400x64xf32, #tpu.memory_space<hbm>>
    tpu.wait_dma2 semaphore(%arg21 : memref<!tpu.dma_semaphore, #tpu.memory_space<semaphore_mem>>) src(%arg9 : memref<400x64xf32, #tpu.memory_space<vmem>>) dst(%dma_wait3A_76 : memref<400x64xf32, #tpu.memory_space<hbm>>)
    %dma_wait3A_77 = arith.constant 0 : i32
    %dma_wait3A_78 = arith.constant 0 : i32
    %dma_wait3A_79 = tpu.memref_slice %arg5[%dma_wait3A_77, %dma_wait3A_78] : memref<819200x64xf32, #tpu.memory_space<hbm>> -> memref<400x64xf32, #tpu.memory_space<hbm>>
    %dma_wait3A_80 = arith.constant 0 : i32
    %dma_wait3A_81 = arith.constant 0 : i32
    %dma_wait3A_82 = tpu.memref_slice %arg5[%dma_wait3A_80, %dma_wait3A_81] : memref<819200x64xf32, #tpu.memory_space<hbm>> -> memref<400x64xf32, #tpu.memory_space<hbm>>
    tpu.wait_dma2 semaphore(%arg22 : memref<!tpu.dma_semaphore, #tpu.memory_space<semaphore_mem>>) src(%arg10 : memref<400x64xf32, #tpu.memory_space<vmem>>) dst(%dma_wait3A_82 : memref<400x64xf32, #tpu.memory_space<hbm>>)
    %dma_wait3A_83 = arith.constant 0 : i32
    %dma_wait3A_84 = arith.constant 0 : i32
    %dma_wait3A_85 = tpu.memref_slice %arg5[%dma_wait3A_83, %dma_wait3A_84] : memref<819200x64xf32, #tpu.memory_space<hbm>> -> memref<400x64xf32, #tpu.memory_space<hbm>>
    %dma_wait3A_86 = arith.constant 0 : i32
    %dma_wait3A_87 = arith.constant 0 : i32
    %dma_wait3A_88 = tpu.memref_slice %arg5[%dma_wait3A_86, %dma_wait3A_87] : memref<819200x64xf32, #tpu.memory_space<hbm>> -> memref<400x64xf32, #tpu.memory_space<hbm>>
    tpu.wait_dma2 semaphore(%arg23 : memref<!tpu.dma_semaphore, #tpu.memory_space<semaphore_mem>>) src(%arg11 : memref<400x64xf32, #tpu.memory_space<vmem>>) dst(%dma_wait3A_88 : memref<400x64xf32, #tpu.memory_space<hbm>>)
    return
  }
}

</mosaic_0001>

<sc_bundles>
// kernel: kernel.3.cloned.1.call-start
scs
__scs_entry_jumppad:
0x0: {  	(pc) =	sbr.rel $0x88, $3  }
0x1: {  	(tag) =	ssettag $0x0;
	lr =	simm.s32 $0x1  }
0x2: {  	[smem:$0x3F9E] =	sst lr;
	_ =	strace $0xD0000000  }
0x3: {  	_ = 	snop  }
0x4: {  	_ = 	snop  }
0x5: {  	_ = 	snop  }
0x6: {  	_ = 	snop  }
0x7: {  	_ = 	snop  }
__scs_overlays_trampoline_lowered:
0x8: {  	[smem:$0x3FAD] =	sst s0  }
0x9: {  	[smem:$0x3FAE] =	sst s1  }
0xa: {  	[smem:$0x3FAF] =	sst s2  }
0xb: {  	[smem:$0x3FB0] =	sst s3  }
0xc: {  	[smem:$0x3FB1] =	sst s4  }
0xd: {  	[smem:$0x3FB2] =	sst s5  }
0xe: {  	[smem:$0x3FB3] =	sst s6  }
0xf: {  	[smem:$0x3FB4] =	sst s7  }
0x10: {  	[smem:$0x3FB5] =	sst s8  }
0x11: {  	[smem:$0x3FB6] =	sst s9;
	s0 =	simm.s32 @!p0 $0x0  }
0x12: {  	s1 =	sld [smem:$0x3F9C];
	s0 =	simm.s32 @p0 $0x1  }
0x13: {  	[smem:$0x3FB7] =	sst s0;
	s0 =	simm.s32 @!p1 $0x0  }
0x14: {  	s2 =	sld [smem:$0x3F9B];
	s0 =	simm.s32 @p1 $0x1  }
0x15: {  	[smem:$0x3FB8] =	sst s0;
	s0 =	simm.s32 @!p2 $0x0  }
0x16: {  	s3 =	sld [smem:$0x3FDB];
	s0 =	simm.s32 @p2 $0x1  }
0x17: {  	s4 =	simm.s32 $0x1BF5;
	[smem:$0x3FBA] =	sst s0  }
0x18: {  	s0 =	sld [smem:$0x3F9D];
	_ =	swait.ge [sflag:s4], $0x0  }
0x19: {  	s7 =	sld [smem:$0x3F9E]  }
0x1a: {  	s8 =	sadd.s32 $0xFFFFE003, lr  }
0x1b: {  	s9 =	sadd.s32 $0xFFFFFEF7, lr;
	s5 =	simm.s32 $0xFFFFFFFF;
	p2 =	slt.u32 s8, $0xFFFFF086  }
0x1c: {  	p1 =	slt.u32 s9, $0xF7A;
	s5 =	simm.s32 @!p2 $0x0  }
0x1d: {  	s5 =	simm.s32 @p1 $0x1;
	p0 =	seq.s32 s7, s2  }
0x1e: {  	s7 =	smul.u32 @!p0 $0xF7A, s2;
	p2 =	seq.s32 @!p0 s5, $0x0  }
0x1f: {  	s9 =	smul.u32 $0xF7A, s1;
	s8 =	simm.s32 @!p0 $0x1BF5;
	p2 =	por !p2, p0  }
0x20: {  	[sflag:s8] =	ssyncset.s32 @!p0 $0xFFFFF086;
	s6 =	sadd.s32 @!p0 s3, s7;
	s7 =	simm.s32 @!p0 $0x108  }
0x21: {  	s3 =	sadd.s32 s3, s9;
	s6 =	sadd.s32 @!p0 $0x88, s6;
	s7 =	simm.s32 @p2 $0x1082  }
0x22: {  	[simem:s7], [sflag:s8] =	dma.local @!p0 [hbm:s6], $0xF7A  }
0x23: {  	s9 =	sor.u32 $0xD0000000, s2;
	s6 =	simm.s32 $0x108;
	_ =	swait.ge @!p0 [sflag:s8], $0x0  }
0x24: {  	s3 =	sadd.s32 $0x88, s3;
	s6 =	simm.s32 @!p1 $0x1082;
	[sflag:s4] =	ssyncset.s32 $0xFFFFF086  }
0x25: {  	[simem:s6], [sflag:s4] =	dma.local [hbm:s3], $0xF7A  }
0x26: {  	[smem:$0x3F9E] =	sst s1;
	(tag) =	ssettag s2;
	_ =	strace s9  }
0x27: {  	s1 =	sld [smem:$0x3FAE]  }
0x28: {  	s2 =	sld [smem:$0x3FAF]  }
0x29: {  	s4 =	sld [smem:$0x3FB1]  }
0x2a: {  	p0 =	seq.s32 s5, $0x0;
	s5 =	sld [smem:$0x3FB2]  }
0x2b: {  	s6 =	sld [smem:$0x3FB3]  }
0x2c: {  	s7 =	sld [smem:$0x3FB4]  }
0x2d: {  	s3 =	simm.s32 $0x108;
	s8 =	sld [smem:$0x3FB5]  }
0x2e: {  	s3 =	simm.s32 @!p0 $0x1082;
	s9 =	sld [smem:$0x3FB6]  }
0x2f: {  	lr =	sadd.s32 s0, s3;
	s0 =	sld [smem:$0x3FAD]  }
0x30: {  	s3 =	sld [smem:$0x3FB0]  }
0x31: {  	[smem:$0x3FB9] =	sst s10  }
0x32: {  	s10 =	sld [smem:$0x3FB7];
	_ =	sdelay $0x3  }
0x33: {  	p0 =	seq.s32 s10, $0x1;
	s10 =	sld [smem:$0x3FB9];
	_ =	sdelay $0x3  }
0x34: {  	[smem:$0x3FB9] =	sst s10  }
0x35: {  	s10 =	sld [smem:$0x3FB8];
	_ =	sdelay $0x3  }
0x36: {  	p1 =	seq.s32 s10, $0x1;
	s10 =	sld [smem:$0x3FB9];
	_ =	sdelay $0x3  }
0x37: {  	[smem:$0x3FB9] =	sst s10  }
0x38: {  	s10 =	sld [smem:$0x3FBA]  }
0x39: {  	_ = 	snop;
	(pc) =	sbr.ind lr, $3  }
0x3a: {  	_ = 	snop  }
0x3b: {  	_ = 	snop  }
0x3c: {  	p2 =	seq.s32 s10, $0x1;
	s10 =	sld [smem:$0x3FB9]  }
0x3d: {  	_ =	shalt  }
0x3e: {  	_ =	shalt  }
0x3f: {  	_ =	shalt  }
0x40: {  	_ =	shalt  }
0x41: {  	_ =	shalt  }
0x42: {  	_ =	shalt  }
0x43: {  	_ =	shalt  }
0x44: {  	_ =	shalt  }
0x45: {  	_ =	shalt  }
0x46: {  	_ =	shalt  }
0x47: {  	_ =	shalt  }
0x48: {  	_ =	shalt  }
0x49: {  	_ =	shalt  }
0x4a: {  	_ =	shalt  }
0x4b: {  	_ =	shalt  }
0x4c: {  	_ =	shalt  }
0x4d: {  	_ =	shalt  }
0x4e: {  	_ =	shalt  }
0x4f: {  	_ =	shalt  }
0x50: {  	_ =	shalt  }
0x51: {  	_ =	shalt  }
0x52: {  	_ =	shalt  }
0x53: {  	_ =	shalt  }
0x54: {  	_ =	shalt  }
0x55: {  	_ =	shalt  }
0x56: {  	_ =	shalt  }
0x57: {  	_ =	shalt  }
0x58: {  	_ =	shalt  }
0x59: {  	_ =	shalt  }
0x5a: {  	_ =	shalt  }
0x5b: {  	_ =	shalt  }
0x5c: {  	_ =	shalt  }
0x5d: {  	_ =	shalt  }
0x5e: {  	_ =	shalt  }
0x5f: {  	_ =	shalt  }
0x60: {  	_ =	shalt  }
0x61: {  	_ =	shalt  }
0x62: {  	_ =	shalt  }
0x63: {  	_ =	shalt  }
0x64: {  	_ =	shalt  }
0x65: {  	_ =	shalt  }
0x66: {  	_ =	shalt  }
0x67: {  	_ =	shalt  }
0x68: {  	_ =	shalt  }
0x69: {  	_ =	shalt  }
0x6a: {  	_ =	shalt  }
0x6b: {  	_ =	shalt  }
0x6c: {  	_ =	shalt  }
0x6d: {  	_ =	shalt  }
0x6e: {  	_ =	shalt  }
0x6f: {  	_ =	shalt  }
0x70: {  	_ =	shalt  }
0x71: {  	_ =	shalt  }
0x72: {  	_ =	shalt  }
0x73: {  	_ =	shalt  }
0x74: {  	_ =	shalt  }
0x75: {  	_ =	shalt  }
0x76: {  	_ =	shalt  }
0x77: {  	_ =	shalt  }
0x78: {  	_ =	shalt  }
0x79: {  	_ =	shalt  }
0x7a: {  	_ =	shalt  }
0x7b: {  	_ =	shalt  }
0x7c: {  	_ =	shalt  }
0x7d: {  	_ =	shalt  }
0x7e: {  	_ =	shalt  }
0x7f: {  	_ =	shalt  }
0x80: {  	_ =	shalt  }
0x81: {  	_ =	shalt  }
0x82: {  	_ =	shalt  }
0x83: {  	_ =	shalt  }
0x84: {  	_ =	shalt  }
0x85: {  	_ =	shalt  }
0x86: {  	_ =	shalt  }
0x87: {  	_ =	shalt  }
.Lfunc_end0:
.L_simem_size_0:
called_computation.1_lowered:
.L_overlay_start_0:
0x88: {  	s2 =	sld [smem:$0x3FD9]  }
0x89: {  	s3 =	sld [smem:$0x3FFE];
	_ =	sdelay $0x1  }
0x8a: {  	s1 =	srdreg.scid  }
0x8b: {  	s0 =	sand.u32 $0x1, s1  }
0x8c: {  	s17 =	sshll.u32 s0, $0xA;
	s2 =	sadd.s32 s3, s2  }
0x8d: {  	s2 =	sadd.s32 s2, s17  }
0x8e: {  	[smem:$0x3FC5] =	sst s2  }
0x8f: {  	_ = 	snop  }
0x90: {  	s2 =	sld [smem:$0x3FD0];
	(tm) =	ssettm $0x1  }
0x91: {  	s18 =	sld [smem:$0x3FFB];
	_ =	sdelay $0x3  }
0x92: {  	_ =	strace s18  }
0x93: {  	s3 =	sld [smem:$0x3FFC];
	_ =	sdelay $0x3  }
0x94: {  	_ =	strace s3  }
0x95: {  	s3 =	sld [smem:$0x3FFD];
	_ =	sdelay $0x3  }
0x96: {  	_ =	strace s3  }
0x97: {  	_ =	strace $0x8FFFFFFF  }
0x98: {  	s19 =	sld [smem:$0x3FDB];
	_ =	sdelay $0x1  }
0x99: {  	s4 =	simm.s32 $_scs_section_size  }
0x9a: {  	s5 =	simm.s32 $_size__tile_overlayer_lowered;
	s6 =	simm.s32 $_tile_overlayer_lowered  }
0x9b: {  	s22 =	simm.s32 $0x1BFF;
	s21 =	sshll.u32 s6, $0x1;
	s3 =	sadd.s32 s4, s19  }
0x9c: {  	s7 =	simm.s32 $0x0;
	s20 =	sshll.u32 s5, $0x1;
	s5 =	sadd.s32 s21, s3  }
0x9d: {  	[timem:s7], [sflag:s22] =	dma.local [hbm:s5], s20  }
0x9e: {  	_ =	swait.ge [sflag:s22], s20  }
0x9f: {  	s4 =	ssub.s32 $0x0, s20;
	[sflag:s22] =	ssyncset.done $0x0  }
0xa0: {  	[sflag:s22] =	ssyncadd.s32 s4;
	_ =	sdelay $0x1  }
0xa1: {  	s23 =	simm.s32 $0x1B8B  }
0xa2: {  	_ =	swait.ge [sflag:s23], $0x1  }
0xa3: {  	[sflag:s23] =	ssyncset.done $0x0  }
0xa4: {  	s25 =	simm.s32 $0x1B8E;
	s24 =	sld [smem:$0x3FFE];
	[sflag:s23] =	ssyncadd.s32 $0xFFFFFFFF  }
0xa5: {  	s26 =	simm.s32 $execute0_lowered;
	[smem:$0x3FD2] =	sst s25  }
0xa6: {  	s5 =	sshll.u32 s26, $0x1;
	_ =	strace $0x80000046;
	[dreg:$0x1] =	wrdreg $0xFFFFFFFF  }
0xa7: {  	s28 =	simm.s32 $_size_execute0_lowered;
	s3 =	sadd.s32 s3, s5;
	[dreg:$0x0] =	wrdreg $0x0  }
0xa8: {  	s5 =	sshll.u32 s28, $0x1;
	[dreg:$0x2] =	wrdreg s3  }
0xa9: {  	[dreg:$0x3] =	wrdreg s5  }
0xaa: {  	[dreg:$0x4] =	wrdreg $0xC0  }
0xab: {  	_ =	task [dreg:s7], $0x5FFFF  }
0xac: {  	[dreg:$0x1] =	wrdreg $0xFFFFFFFF  }
0xad: {  	[dreg:$0x0] =	wrdreg $0x60  }
0xae: {  	[dreg:$0x2] =	wrdreg s24  }
0xaf: {  	[dreg:$0x3] =	wrdreg s2  }
0xb0: {  	[dreg:$0x4] =	wrdreg $0x9  }
0xb1: {  	_ =	task.clear_ibuf [dreg:s7], $0x5FFFF;
	_ =	strace $0x90000046  }
0xb2: {  	s29 =	simm.s32 $0x9;
	_ =	strace $0x80000048  }
0xb3: {  	_ =	swait.ge [sflag:s29], $0x1  }
0xb4: {  	[sflag:s29] =	ssyncadd.s32 $0xFFFFFFFF  }
0xb5: {  	_ =	strace $0x90000048  }
0xb6: {  	_ =	sfence  }
0xb7: {  	s30 =	sld [smem:$0x0];
	_ =	sdelay $0x2  }
0xb8: {  	s31 =	sshll.u32 s1, $0xD;
	s1 =	sshrl.u32 s1, $0x2  }
0xb9: {  	s3 =	sand.u32 $0x4000, s31;
	s1 =	sadd.s32 s1, s30  }
0xba: {  	s0 =	sor.u32 s3, s0;
	s1 =	sshll.u32 s1, $0x11  }
0xbb: {  	s0 =	sor.u32 s1, s0  }
0xbc: {  	s0 =	sadd.s32 $0x8F2B, s0  }
0xbd: {  	[sflag:s0] =	ssyncadd.remote.s32 $0x1  }
0xbe: {  	_ =	sfence.sel $0xFFFF  }
0xbf: {  	[dreg:$0x0] =	wrdreg $0xFFFFFFFF;
	(pc) =	sbr.abs _section_cstart, $3  }
0xc0: {  	[dreg:$0x1] =	wrdreg $0xFFFFFFFF  }
0xc1: {  	_ =	task.clear_ibuf [dreg:s7], $0x2FFFF;
	_ =	strace $0x9FFFFFFF  }
0xc2: {  	(tm) =	ssettm $0x7FFFFFFF  }
0xc3: {  	_ =	shalt  }
tec
execute0_lowered:
.L_overlay_start_1:
0x0: {  	(tag) =	ssettag $0x1  }
0x1: {  	s0 =	rddreg [dreg:$0x0]  }
0x2: {  	s2 =	rddreg [dreg:$0x1];
	s1 =	srdreg.scid  }
0x3: {  	s4 =	stileid.u32;
	s3 =	simm.s32 $0x0;
	s21 =	simm.s32 $0x4B0  }
0x4: {  	s22 =	simm.s32 $0x2;
	s17 =	simm.s32 $0x4;
	s20 =	simm.s32 $0x16440  }
0x5: {  	s16 =	simm.s32 $0x5A0;
	s18 =	simm.s32 $0x5F0;
	s28 =	simm.s32 $0x3840  }
0x6: {  	s29 =	simm.s32 $0x6;
	s30 =	simm.s32 $0x7;
	s31 =	simm.s32 $0x10040  }
0x7: {  	s9 =	simm.s32 $0x0;
	s1 =	sand.u32 $0x1, s1;
	s4 =	sshll.u32 s4, $0x7  }
0x8: {  	[smem:$0x7FF] =	sst s3;
	s6 =	sadd.s32 $0xF43000, s0;
	s5 =	sshll.u32 s1, $0x6  }
0x9: {  	_ =	strace $0x80000047;
	s1 =	ssub.s32 $0x2, s1;
	s4 =	sor.u32 s5, s4  }
0xa: {  	s5 =	sadd.s32 $0xC00, s0;
	s0 =	sadd.s32 $0x19C00, s0;
	s7 =	smul.u32 $0x190, s4  }
0xb: {  	s23 =	sshrl.u32 s1, $0x1;
	s8 =	smul.u32 $0x32, s4;
	[dreg:$0x3] =	wrdreg s0  }
0xc: {  	s0 =	ssub.s32 s1, s23;
	s12 =	sor.u32 $0x4, s4;
	s13 =	sor.u32 $0x5, s4  }
0xd: {  	s14 =	sor.u32 $0x6, s4;
	s15 =	sor.u32 $0x7, s4;
	s23 =	simm.s32 $0x50  }
0xe: {  	s0 =	smax.u32 s0, $0x1;
	s7 =	sshrl.u32 s7, $0x3;
	s8 =	sadd.s32 s5, s8  }
.Ltmp0:
0xf: {  	[dreg:$0x8] =	wrdreg s0;
	s0 =	simm.s32 $0x8;
	(pc) =	sbr.rel .LBB2_1-.Ltmp0, $4  }
0x10: {  	s24 =	sadd.s32 s5, s7;
	s25 =	sadd.s32 $0x32, s8;
	[dreg:$0x4] =	wrdreg s8  }
0x11: {  	s26 =	sadd.s32 $0x64, s8;
	s8 =	simm.s32 $0x1A040;
	[dreg:$0x5] =	wrdreg s25  }
0x12: {  	[dreg:$0x6] =	wrdreg s26;
	s1 =	sadd.s32 $0x96, s24;
	s24 =	simm.s32 $0x9C40  }
0x13: {  	s25 =	simm.s32 $0x1B440;
	s26 =	simm.s32 $0x5;
	[dreg:$0x7] =	wrdreg s1  }
.LBB2_12:
0x14: {  	s1 =	simm.s32 $0x9  }
0x15: {  	_ =	swait.ge [sflag:s1], $0x6400  }
0x16: {  	[sflag:s1] =	ssyncset.done $0x0  }
0x17: {  	s10 =	simm.s32 $0xA;
	[sflag:s1] =	ssyncadd.s32 $0xFFFF9C00  }
0x18: {  	_ =	swait.ge [sflag:s10], $0x6400  }
0x19: {  	[sflag:s10] =	ssyncset.done $0x0  }
0x1a: {  	s11 =	simm.s32 $0xB;
	[sflag:s10] =	ssyncadd.s32 $0xFFFF9C00  }
0x1b: {  	_ =	swait.ge [sflag:s11], $0x6400  }
0x1c: {  	[sflag:s11] =	ssyncset.done $0x0  }
0x1d: {  	s7 =	simm.s32 $0xC;
	[sflag:s11] =	ssyncadd.s32 $0xFFFF9C00  }
0x1e: {  	_ =	swait.ge [sflag:s7], $0x6400  }
0x1f: {  	s9 =	rddreg [dreg:$0x9]  }
0x20: {  	s19 =	rddreg [dreg:$0x8];
	s9 =	sadd.s32 $0x1, s9  }
0x21: {  	p0 =	sne.s32 s9, s19  }
.Ltmp1:
0x22: {  	_ = 	snop;
	(pc) =	sbr.rel @!p0 .LBB2_13-.Ltmp1, $3  }
0x23: {  	_ =	sdelay $0x1  }
0x24: {  	[sflag:s7] =	ssyncset.done $0x0  }
0x25: {  	[sflag:s7] =	ssyncadd.s32 $0xFFFF9C00  }
.LBB2_1:
0x26: {  	[dreg:$0x9] =	wrdreg s9  }
0x27: {  	s1 =	rddreg [dreg:$0x3];
	s7 =	simm.s32 $0x640;
	s11 =	simm.s32 $0xD  }
0x28: {  	[tilespmem:s7], [sflag:$0xD] =	stream.linear.gather [hbm4b:s1+s3], $0x3200, $0x38;
	[tilespmem:$0x1C840] =	vst v63  }
0x29: {  	_ =	swait.ge [sflag:s11], $0x3200  }
0x2a: {  	[sflag:s11] =	ssyncset.done $0x0  }
0x2b: {  	s19 =	rddreg [dreg:$0x4];
	[sflag:s11] =	ssyncadd.s32 $0xFFFFCE00  }
0x2c: {  	[tilespmem:s3], [sflag:$0x1] =	stream.linear.gather [hbm4b:s19+s3], $0x190, $0x38;
	[tilespmem:$0x1C840] =	vst v63  }
0x2d: {  	s9 =	simm.s32 $0x190;
	s7 =	rddreg [dreg:$0x5]  }
0x2e: {  	[tilespmem:s9], [sflag:$0x2] =	stream.linear.gather [hbm4b:s7+s3], $0x190, $0x38;
	[tilespmem:$0x1C840] =	vst v63  }
0x2f: {  	s10 =	rddreg [dreg:$0x6];
	s11 =	simm.s32 $0x320  }
0x30: {  	[tilespmem:s11], [sflag:$0x3] =	stream.linear.gather [hbm4b:s10+s3], $0x190, $0x38;
	[tilespmem:$0x1C840] =	vst v63  }
0x31: {  	s1 =	simm.s32 $0x0;
	s19 =	rddreg [dreg:$0x7]  }
0x32: {  	[tilespmem:s21], [sflag:$0x4] =	stream.linear.gather [hbm4b:s19+s3], $0x190, $0x38;
	[tilespmem:$0x1C840] =	vst v63  }
.LBB2_2:
0x33: {  	p0 =	seq.s32 s1, $0x0  }
0x34: {  	s7 =	simm.s32 @p0 $0x1  }
0x35: {  	_ =	swait.ge @p0 [sflag:s7], $0x190  }
0x36: {  	s9 =	simm.s32 @p0 $0x50;
	[sflag:s7] =	ssyncset.done @p0 $0x0  }
0x37: {  	s10 =	simm.s32 @p0 $0x3840;
	[sflag:s7] =	ssyncadd.s32 @p0 $0xFFFFFE70;
	s7 =	simm.s32 @p0 $0x0  }
0x38: {  	[tilespmem:s10], [sflag:$0x5] =	stream.indirect.gather @p0 [hbm4b:s6+s9], $0x40, s7, s9, $0xb8;
	[tilespmem:$0x1C840] =	vst v63  }
0x39: {  	s7 =	simm.s32 @p0 $0x4C40  }
0x3a: {  	[tilespmem:s7], [sflag:$0x5] =	stream.indirect.gather @p0 [hbm4b:s6+s9], $0x40, s9, s9, $0xb8;
	[tilespmem:$0x1C840] =	vst v63  }
0x3b: {  	s10 =	simm.s32 @p0 $0x6040;
	s7 =	simm.s32 @p0 $0xA0  }
0x3c: {  	[tilespmem:s10], [sflag:$0x5] =	stream.indirect.gather @p0 [hbm4b:s6+s9], $0x40, s7, s9, $0xb8;
	[tilespmem:$0x1C840] =	vst v63  }
0x3d: {  	s7 =	simm.s32 @p0 $0xF0;
	s10 =	simm.s32 @p0 $0x7440  }
0x3e: {  	[tilespmem:s10], [sflag:$0x5] =	stream.indirect.gather @p0 [hbm4b:s6+s9], $0x40, s7, s9, $0xb8;
	[tilespmem:$0x1C840] =	vst v63  }
0x3f: {  	s7 =	simm.s32 @p0 $0x140;
	s10 =	simm.s32 @p0 $0x8840  }
0x40: {  	[tilespmem:s10], [sflag:$0x5] =	stream.indirect.gather @p0 [hbm4b:s6+s9], $0x40, s7, s9, $0xb8;
	[tilespmem:$0x1C840] =	vst v63  }
0x41: {  	s7 =	simm.s32 @!p0 $0x9  }
0x42: {  	_ =	swait.ge @!p0 [sflag:s7], $0x6400  }
0x43: {  	[sflag:s7] =	ssyncset.done @!p0 $0x0  }
0x44: {  	[sflag:s7] =	ssyncadd.s32 @!p0 $0xFFFF9C00;
	s7 =	simm.s32 @!p0 $0x1  }
0x45: {  	_ =	swait.ge @!p0 [sflag:s7], $0x190  }
0x46: {  	s19 =	simm.s32 @!p0 $0x3840;
	[sflag:s7] =	ssyncset.done @!p0 $0x0  }
0x47: {  	s10 =	simm.s32 @!p0 $0x0;
	[sflag:s7] =	ssyncadd.s32 @!p0 $0xFFFFFE70;
	s7 =	simm.s32 @!p0 $0x50  }
0x48: {  	[tilespmem:s19], [sflag:$0x5] =	stream.indirect.gather @!p0 [hbm4b:s6+s7], $0x40, s10, s7, $0xb8;
	[tilespmem:$0x1C840] =	vst v63  }
0x49: {  	s10 =	simm.s32 @!p0 $0x4C40  }
0x4a: {  	[tilespmem:s10], [sflag:$0x5] =	stream.indirect.gather @!p0 [hbm4b:s6+s7], $0x40, s7, s7, $0xb8;
	[tilespmem:$0x1C840] =	vst v63  }
0x4b: {  	s19 =	simm.s32 @!p0 $0x6040;
	s10 =	simm.s32 @!p0 $0xA0  }
0x4c: {  	[tilespmem:s19], [sflag:$0x5] =	stream.indirect.gather @!p0 [hbm4b:s6+s7], $0x40, s10, s7, $0xb8;
	[tilespmem:$0x1C840] =	vst v63  }
0x4d: {  	s10 =	simm.s32 @!p0 $0xF0;
	s19 =	simm.s32 @!p0 $0x7440  }
0x4e: {  	[tilespmem:s19], [sflag:$0x5] =	stream.indirect.gather @!p0 [hbm4b:s6+s7], $0x40, s10, s7, $0xb8;
	[tilespmem:$0x1C840] =	vst v63  }
0x4f: {  	s10 =	simm.s32 @!p0 $0x140;
	s19 =	simm.s32 @!p0 $0x8840  }
0x50: {  	[tilespmem:s19], [sflag:$0x5] =	stream.indirect.gather @!p0 [hbm4b:s6+s7], $0x40, s10, s7, $0xb8;
	[tilespmem:$0x1C840] =	vst v63  }
0x51: {  	s10 =	simm.s32 @!p0 $0xA  }
0x52: {  	_ =	swait.ge @!p0 [sflag:s10], $0x6400  }
0x53: {  	[sflag:s10] =	ssyncset.done @!p0 $0x0  }
0x54: {  	[sflag:s10] =	ssyncadd.s32 @!p0 $0xFFFF9C00  }
0x55: {  	_ =	swait.ge [sflag:s22], $0x190  }
0x56: {  	[sflag:s22] =	ssyncset.done $0x0  }
0x57: {  	s11 =	simm.s32 $0x190;
	[sflag:s22] =	ssyncadd.s32 $0xFFFFFE70  }
0x58: {  	[tilespmem:s24], [sflag:$0x6] =	stream.indirect.gather [hbm4b:s6+s23], $0x40, s11, s23, $0xb8;
	[tilespmem:$0x1C840] =	vst v63  }
0x59: {  	s19 =	simm.s32 $0x1E0;
	s11 =	simm.s32 $0xB040  }
0x5a: {  	[tilespmem:s11], [sflag:$0x6] =	stream.indirect.gather [hbm4b:s6+s23], $0x40, s19, s23, $0xb8;
	[tilespmem:$0x1C840] =	vst v63  }
0x5b: {  	s11 =	simm.s32 $0x230;
	s19 =	simm.s32 $0xC440  }
0x5c: {  	[tilespmem:s19], [sflag:$0x6] =	stream.indirect.gather [hbm4b:s6+s23], $0x40, s11, s23, $0xb8;
	[tilespmem:$0x1C840] =	vst v63  }
0x5d: {  	s11 =	simm.s32 $0x280;
	s19 =	simm.s32 $0xD840  }
0x5e: {  	[tilespmem:s19], [sflag:$0x6] =	stream.indirect.gather [hbm4b:s6+s23], $0x40, s11, s23, $0xb8;
	[tilespmem:$0x1C840] =	vst v63  }
0x5f: {  	s10 =	simm.s32 @p0 $0x3;
	s11 =	simm.s32 $0x2D0;
	s19 =	simm.s32 $0xEC40  }
0x60: {  	[tilespmem:s19], [sflag:$0x6] =	stream.indirect.gather [hbm4b:s6+s23], $0x40, s11, s23, $0xb8;
	[tilespmem:$0x1C840] =	vst v63  }
0x61: {  	_ =	swait.ge @p0 [sflag:s10], $0x190  }
0x62: {  	[sflag:s10] =	ssyncset.done @p0 $0x0  }
0x63: {  	s19 =	simm.s32 @p0 $0x10040;
	[sflag:s10] =	ssyncadd.s32 @p0 $0xFFFFFE70;
	s10 =	simm.s32 @p0 $0x320  }
0x64: {  	[tilespmem:s19], [sflag:$0x7] =	stream.indirect.gather @p0 [hbm4b:s6+s9], $0x40, s10, s9, $0xb8;
	[tilespmem:$0x1C840] =	vst v63  }
0x65: {  	s10 =	simm.s32 @p0 $0x370;
	s19 =	simm.s32 @p0 $0x11440  }
0x66: {  	[tilespmem:s19], [sflag:$0x7] =	stream.indirect.gather @p0 [hbm4b:s6+s9], $0x40, s10, s9, $0xb8;
	[tilespmem:$0x1C840] =	vst v63  }
0x67: {  	s10 =	simm.s32 @p0 $0x3C0;
	s19 =	simm.s32 @p0 $0x12840  }
0x68: {  	[tilespmem:s19], [sflag:$0x7] =	stream.indirect.gather @p0 [hbm4b:s6+s9], $0x40, s10, s9, $0xb8;
	[tilespmem:$0x1C840] =	vst v63  }
0x69: {  	s10 =	simm.s32 @p0 $0x410;
	s19 =	simm.s32 @p0 $0x13C40  }
0x6a: {  	[tilespmem:s19], [sflag:$0x7] =	stream.indirect.gather @p0 [hbm4b:s6+s9], $0x40, s10, s9, $0xb8;
	[tilespmem:$0x1C840] =	vst v63  }
0x6b: {  	s10 =	simm.s32 @p0 $0x460;
	s19 =	simm.s32 @p0 $0x15040  }
0x6c: {  	[tilespmem:s19], [sflag:$0x7] =	stream.indirect.gather @p0 [hbm4b:s6+s9], $0x40, s10, s9, $0xb8;
	[tilespmem:$0x1C840] =	vst v63  }
0x6d: {  	s9 =	simm.s32 @!p0 $0xB  }
0x6e: {  	_ =	swait.ge @!p0 [sflag:s9], $0x6400  }
0x6f: {  	[sflag:s9] =	ssyncset.done @!p0 $0x0  }
0x70: {  	[sflag:s9] =	ssyncadd.s32 @!p0 $0xFFFF9C00;
	s9 =	simm.s32 @!p0 $0x3  }
0x71: {  	_ =	swait.ge @!p0 [sflag:s9], $0x190  }
0x72: {  	[sflag:s9] =	ssyncset.done @!p0 $0x0  }
0x73: {  	s10 =	simm.s32 @!p0 $0x10040;
	[sflag:s9] =	ssyncadd.s32 @!p0 $0xFFFFFE70;
	s9 =	simm.s32 @!p0 $0x320  }
0x74: {  	[tilespmem:s10], [sflag:$0x7] =	stream.indirect.gather @!p0 [hbm4b:s6+s7], $0x40, s9, s7, $0xb8;
	[tilespmem:$0x1C840] =	vst v63  }
0x75: {  	s9 =	simm.s32 @!p0 $0x370;
	s10 =	simm.s32 @!p0 $0x11440  }
0x76: {  	[tilespmem:s10], [sflag:$0x7] =	stream.indirect.gather @!p0 [hbm4b:s6+s7], $0x40, s9, s7, $0xb8;
	[tilespmem:$0x1C840] =	vst v63  }
0x77: {  	s9 =	simm.s32 @!p0 $0x3C0;
	s10 =	simm.s32 @!p0 $0x12840  }
0x78: {  	[tilespmem:s10], [sflag:$0x7] =	stream.indirect.gather @!p0 [hbm4b:s6+s7], $0x40, s9, s7, $0xb8;
	[tilespmem:$0x1C840] =	vst v63  }
0x79: {  	s9 =	simm.s32 @!p0 $0x410;
	s10 =	simm.s32 @!p0 $0x13C40  }
0x7a: {  	[tilespmem:s10], [sflag:$0x7] =	stream.indirect.gather @!p0 [hbm4b:s6+s7], $0x40, s9, s7, $0xb8;
	[tilespmem:$0x1C840] =	vst v63  }
0x7b: {  	s9 =	simm.s32 @!p0 $0x460;
	s10 =	simm.s32 @!p0 $0x15040  }
0x7c: {  	[tilespmem:s10], [sflag:$0x7] =	stream.indirect.gather @!p0 [hbm4b:s6+s7], $0x40, s9, s7, $0xb8;
	[tilespmem:$0x1C840] =	vst v63  }
0x7d: {  	s7 =	simm.s32 @!p0 $0xC  }
0x7e: {  	_ =	swait.ge @!p0 [sflag:s7], $0x6400  }
0x7f: {  	[sflag:s7] =	ssyncset.done @!p0 $0x0  }
0x80: {  	[sflag:s7] =	ssyncadd.s32 @!p0 $0xFFFF9C00  }
0x81: {  	_ =	swait.ge [sflag:s17], $0x190  }
0x82: {  	[sflag:s17] =	ssyncset.done $0x0  }
0x83: {  	[sflag:s17] =	ssyncadd.s32 $0xFFFFFE70  }
0x84: {  	[tilespmem:s20], [sflag:$0x8] =	stream.indirect.gather [hbm4b:s6+s23], $0x40, s21, s23, $0xb8;
	[tilespmem:$0x1C840] =	vst v63  }
0x85: {  	s9 =	simm.s32 $0x500;
	s10 =	simm.s32 $0x17840  }
0x86: {  	[tilespmem:s10], [sflag:$0x8] =	stream.indirect.gather [hbm4b:s6+s23], $0x40, s9, s23, $0xb8;
	[tilespmem:$0x1C840] =	vst v63  }
0x87: {  	s11 =	simm.s32 $0x550;
	s19 =	simm.s32 $0x18C40  }
0x88: {  	[tilespmem:s19], [sflag:$0x8] =	stream.indirect.gather [hbm4b:s6+s23], $0x40, s11, s23, $0xb8;
	[tilespmem:$0x1C840] =	vst v63  }
0x89: {  	_ = 	snop  }
0x8a: {  	[tilespmem:s8], [sflag:$0x8] =	stream.indirect.gather [hbm4b:s6+s23], $0x40, s16, s23, $0xb8;
	[tilespmem:$0x1C840] =	vst v63  }
0x8b: {  	_ = 	snop  }
0x8c: {  	[tilespmem:s25], [sflag:$0x8] =	stream.indirect.gather [hbm4b:s6+s23], $0x40, s18, s23, $0xb8;
	[tilespmem:$0x1C840] =	vst v63  }
0x8d: {  	_ =	swait.ge [sflag:s26], $0x6400  }
0x8e: {  	[sflag:s26] =	ssyncset.done $0x0  }
0x8f: {  	s9 =	simm.s32 $0x0;
	[sflag:s26] =	ssyncadd.s32 $0xFFFF9C00  }
0x90: {  	v5 =	vld [tilespmem:s9+$0x640]  }
0x91: {  	v1 =	vld [tilespmem:s9+$0x650]  }
0x92: {  	v0 =	vld [tilespmem:s9+$0x660]  }
0x93: {  	v2 =	vld [tilespmem:s9+$0x670]  }
0x94: {  	v8 =	vld [tilespmem:s9+$0x3840]  }
0x95: {  	v10 =	vld [tilespmem:s9+$0x6A40]  }
0x96: {  	v7 =	vld [tilespmem:s9+$0x3850]  }
0x97: {  	v6 =	vld [tilespmem:s9+$0x6A50]  }
0x98: {  	v3 =	vld [tilespmem:s9+$0x3860]  }
0x99: {  	v4 =	vld [tilespmem:s9+$0x6A60];
	v9 =	vadd.f32 v8, v5  }
0x9a: {  	s7 =	sshll.u32 s1, $0x2;
	s19 =	simm.s32 $0x100;
	v8 =	vadd.f32 v10, v5;
	v5 =	vld [tilespmem:s9+$0x3870]  }
.LBB2_3:
0x9b: {  	s10 =	sshra.s32 s19, $0x2;
	p0 =	sne.s32 s19, $0xC700;
	[tilespmem:s9+$0x3840] =	vst v9;
	v7 =	vadd.f32 v7, v1;
	v9 =	vld [tilespmem:s9+$0x6A70]  }
0x9c: {  	v10 =	vld [tilespmem:s10+$0x640];
	[tilespmem:s9+$0x6A40] =	vst v8;
	v6 =	vadd.f32 v6, v1  }
0x9d: {  	v1 =	vld [tilespmem:s10+$0x650];
	[tilespmem:s9+$0x3850] =	vst v7;
	v3 =	vadd.f32 v3, v0  }
0x9e: {  	[tilespmem:s9+$0x6A50] =	vst v6;
	v4 =	vadd.f32 v4, v0;
	v0 =	vld [tilespmem:s10+$0x660]  }
0x9f: {  	v8 =	vld [tilespmem:s10+$0x670];
	[tilespmem:s9+$0x3860] =	vst v3;
	v3 =	vadd.f32 v5, v2  }
0xa0: {  	v5 =	vld [tilespmem:s10+$0x3840];
	[tilespmem:s9+$0x6A60] =	vst v4;
	v2 =	vadd.f32 v9, v2  }
0xa1: {  	v11 =	vld [tilespmem:s10+$0x6A40];
	[tilespmem:s9+$0x3870] =	vst v3  }
.Ltmp2:
0xa2: {  	v7 =	vld [tilespmem:s10+$0x3850];
	[tilespmem:s9+$0x6A70] =	vst v2;
	s9 =	smov.u32 s10;
	(pc) =	sbr.rel @p0 .LBB2_3-.Ltmp2, $4  }
0xa3: {  	v6 =	vld [tilespmem:s9+$0x6A50]  }
0xa4: {  	v3 =	vld [tilespmem:s9+$0x3860];
	v2 =	vmov v8  }
0xa5: {  	v9 =	vadd.f32 v5, v10;
	v4 =	vld [tilespmem:s9+$0x6A60]  }
0xa6: {  	s19 =	sadd.s32 $0x100, s19;
	v8 =	vadd.f32 v11, v10;
	v5 =	vld [tilespmem:s9+$0x3870]  }
0xa7: {  	[tilespmem:s9+$0x3840] =	vst v9;
	v7 =	vadd.f32 v7, v1;
	v9 =	vld [tilespmem:s9+$0x6A70]  }
0xa8: {  	[tilespmem:s9+$0x6A40] =	vst v8;
	v1 =	vadd.f32 v6, v1  }
0xa9: {  	[tilespmem:s9+$0x3850] =	vst v7;
	v3 =	vadd.f32 v3, v0  }
0xaa: {  	[tilespmem:s9+$0x6A50] =	vst v1;
	v0 =	vadd.f32 v4, v0  }
0xab: {  	s10 =	sadd.s32 s4, s7;
	[tilespmem:s9+$0x3860] =	vst v3;
	v1 =	vadd.f32 v5, v2  }
0xac: {  	p0 =	seq.s32 s1, $0xF;
	s10 =	smul.u32 $0xC80, s10;
	[tilespmem:s9+$0x6A60] =	vst v0;
	v0 =	vadd.f32 v9, v2  }
0xad: {  	s19 =	sadd.s32 @!p0 s7, s12;
	[tilespmem:s9+$0x3870] =	vst v1  }
0xae: {  	s11 =	sadd.s32 s2, s10;
	s10 =	smul.u32 @!p0 $0x32, s19;
	[tilespmem:s9+$0x6A70] =	vst v0  }
0xaf: {  	[hbm4b:s11+s3] =	stream.linear.scatter [tilespmem:s28], [sflag:$0x9], $0x6400, $0x38;
	[tilespmem:$0x1C840] =	vst v63  }
0xb0: {  	s9 =	sadd.s32 @!p0 s5, s10;
	s10 =	simm.s32 @!p0 $0x0  }
0xb1: {  	[tilespmem:s10], [sflag:$0x1] =	stream.linear.gather @!p0 [hbm4b:s9+s10], $0x190, $0x38;
	[tilespmem:$0x1C840] =	vst v63  }
0xb2: {  	_ =	swait.ge [sflag:s29], $0x6400  }
0xb3: {  	[sflag:s29] =	ssyncset.done $0x0  }
0xb4: {  	s19 =	simm.s32 $0x0;
	[sflag:s29] =	ssyncadd.s32 $0xFFFF9C00  }
0xb5: {  	v3 =	vld [tilespmem:s19+$0x640]  }
0xb6: {  	v1 =	vld [tilespmem:s19+$0x650]  }
0xb7: {  	v0 =	vld [tilespmem:s19+$0x660]  }
0xb8: {  	v2 =	vld [tilespmem:s19+$0x670]  }
0xb9: {  	v8 =	vld [tilespmem:s19+$0x9C40]  }
0xba: {  	v10 =	vld [tilespmem:s19+$0xCE40]  }
0xbb: {  	v7 =	vld [tilespmem:s19+$0x9C50]  }
0xbc: {  	v6 =	vld [tilespmem:s19+$0xCE50]  }
0xbd: {  	v4 =	vld [tilespmem:s19+$0x9C60]  }
0xbe: {  	v5 =	vld [tilespmem:s19+$0xCE60];
	v9 =	vadd.f32 v8, v3  }
0xbf: {  	s9 =	simm.s32 $0x100;
	v8 =	vadd.f32 v10, v3;
	v3 =	vld [tilespmem:s19+$0x9C70]  }
.LBB2_5:
0xc0: {  	s10 =	sshra.s32 s9, $0x2;
	p1 =	sne.s32 s9, $0xC700;
	[tilespmem:s19+$0x9C40] =	vst v9;
	v7 =	vadd.f32 v7, v1;
	v9 =	vld [tilespmem:s19+$0xCE70]  }
0xc1: {  	v10 =	vld [tilespmem:s10+$0x640];
	[tilespmem:s19+$0xCE40] =	vst v8;
	v6 =	vadd.f32 v6, v1  }
0xc2: {  	v1 =	vld [tilespmem:s10+$0x650];
	[tilespmem:s19+$0x9C50] =	vst v7;
	v4 =	vadd.f32 v4, v0  }
0xc3: {  	[tilespmem:s19+$0xCE50] =	vst v6;
	v5 =	vadd.f32 v5, v0;
	v0 =	vld [tilespmem:s10+$0x660]  }
0xc4: {  	v8 =	vld [tilespmem:s10+$0x670];
	[tilespmem:s19+$0x9C60] =	vst v4;
	v3 =	vadd.f32 v3, v2  }
0xc5: {  	v11 =	vld [tilespmem:s10+$0x9C40];
	[tilespmem:s19+$0xCE60] =	vst v5;
	v2 =	vadd.f32 v9, v2  }
0xc6: {  	v12 =	vld [tilespmem:s10+$0xCE40];
	[tilespmem:s19+$0x9C70] =	vst v3  }
.Ltmp3:
0xc7: {  	v7 =	vld [tilespmem:s10+$0x9C50];
	[tilespmem:s19+$0xCE70] =	vst v2;
	s19 =	smov.u32 s10;
	(pc) =	sbr.rel @p1 .LBB2_5-.Ltmp3, $4  }
0xc8: {  	v6 =	vld [tilespmem:s19+$0xCE50]  }
0xc9: {  	v4 =	vld [tilespmem:s19+$0x9C60];
	v2 =	vmov v8  }
0xca: {  	v9 =	vadd.f32 v11, v10;
	v5 =	vld [tilespmem:s19+$0xCE60]  }
0xcb: {  	s9 =	sadd.s32 $0x100, s9;
	v8 =	vadd.f32 v12, v10;
	v3 =	vld [tilespmem:s19+$0x9C70]  }
0xcc: {  	[tilespmem:s19+$0x9C40] =	vst v9;
	v7 =	vadd.f32 v7, v1;
	v9 =	vld [tilespmem:s19+$0xCE70]  }
0xcd: {  	[tilespmem:s19+$0xCE40] =	vst v8;
	v1 =	vadd.f32 v6, v1  }
0xce: {  	[tilespmem:s19+$0x9C50] =	vst v7;
	v4 =	vadd.f32 v4, v0  }
0xcf: {  	s9 =	sadd.s32 s7, s4;
	[tilespmem:s19+$0xCE50] =	vst v1;
	v0 =	vadd.f32 v5, v0  }
0xd0: {  	s9 =	smul.u32 $0xC80, s9;
	[tilespmem:s19+$0x9C60] =	vst v4;
	v1 =	vadd.f32 v3, v2  }
0xd1: {  	[tilespmem:s19+$0xCE60] =	vst v0;
	v0 =	vadd.f32 v9, v2  }
0xd2: {  	s10 =	sadd.s32 @!p0 s7, s13;
	s9 =	sadd.s32 s2, s9;
	[tilespmem:s19+$0x9C70] =	vst v1  }
0xd3: {  	s10 =	smul.u32 @!p0 $0x32, s10;
	s11 =	sadd.s32 $0xC80, s9;
	[tilespmem:s19+$0xCE70] =	vst v0  }
0xd4: {  	[hbm4b:s11+s3] =	stream.linear.scatter [tilespmem:s24], [sflag:$0xA], $0x6400, $0x38;
	[tilespmem:$0x1C840] =	vst v63  }
0xd5: {  	s10 =	sadd.s32 @!p0 s5, s10;
	s19 =	simm.s32 @!p0 $0x0;
	s11 =	simm.s32 @!p0 $0x190  }
0xd6: {  	[tilespmem:s11], [sflag:$0x2] =	stream.linear.gather @!p0 [hbm4b:s10+s19], $0x190, $0x38;
	[tilespmem:$0x1C840] =	vst v63  }
0xd7: {  	_ =	swait.ge [sflag:s30], $0x6400  }
0xd8: {  	[sflag:s30] =	ssyncset.done $0x0  }
0xd9: {  	s19 =	simm.s32 $0x0;
	[sflag:s30] =	ssyncadd.s32 $0xFFFF9C00  }
0xda: {  	v3 =	vld [tilespmem:s19+$0x640]  }
0xdb: {  	v1 =	vld [tilespmem:s19+$0x650]  }
0xdc: {  	v0 =	vld [tilespmem:s19+$0x660]  }
0xdd: {  	v2 =	vld [tilespmem:s19+$0x670]  }
0xde: {  	v8 =	vld [tilespmem:s19+$0x10040]  }
0xdf: {  	v10 =	vld [tilespmem:s19+$0x13240]  }
0xe0: {  	v7 =	vld [tilespmem:s19+$0x10050]  }
0xe1: {  	v6 =	vld [tilespmem:s19+$0x13250]  }
0xe2: {  	v4 =	vld [tilespmem:s19+$0x10060]  }
0xe3: {  	v5 =	vld [tilespmem:s19+$0x13260];
	v9 =	vadd.f32 v8, v3  }
0xe4: {  	s10 =	simm.s32 $0x100;
	v8 =	vadd.f32 v10, v3;
	v3 =	vld [tilespmem:s19+$0x10070]  }
.LBB2_7:
0xe5: {  	s11 =	sshra.s32 s10, $0x2;
	p1 =	sne.s32 s10, $0xC700;
	[tilespmem:s19+$0x10040] =	vst v9;
	v7 =	vadd.f32 v7, v1;
	v9 =	vld [tilespmem:s19+$0x13270]  }
0xe6: {  	v10 =	vld [tilespmem:s11+$0x640];
	[tilespmem:s19+$0x13240] =	vst v8;
	v6 =	vadd.f32 v6, v1  }
0xe7: {  	v1 =	vld [tilespmem:s11+$0x650];
	[tilespmem:s19+$0x10050] =	vst v7;
	v4 =	vadd.f32 v4, v0  }
0xe8: {  	[tilespmem:s19+$0x13250] =	vst v6;
	v5 =	vadd.f32 v5, v0;
	v0 =	vld [tilespmem:s11+$0x660]  }
0xe9: {  	v8 =	vld [tilespmem:s11+$0x670];
	[tilespmem:s19+$0x10060] =	vst v4;
	v3 =	vadd.f32 v3, v2  }
0xea: {  	v11 =	vld [tilespmem:s11+$0x10040];
	[tilespmem:s19+$0x13260] =	vst v5;
	v2 =	vadd.f32 v9, v2  }
0xeb: {  	v12 =	vld [tilespmem:s11+$0x13240];
	[tilespmem:s19+$0x10070] =	vst v3  }
.Ltmp4:
0xec: {  	v7 =	vld [tilespmem:s11+$0x10050];
	[tilespmem:s19+$0x13270] =	vst v2;
	s19 =	smov.u32 s11;
	(pc) =	sbr.rel @p1 .LBB2_7-.Ltmp4, $4  }
0xed: {  	v6 =	vld [tilespmem:s19+$0x13250]  }
0xee: {  	v4 =	vld [tilespmem:s19+$0x10060];
	v2 =	vmov v8  }
0xef: {  	v9 =	vadd.f32 v11, v10;
	v5 =	vld [tilespmem:s19+$0x13260]  }
0xf0: {  	s10 =	sadd.s32 $0x100, s10;
	v8 =	vadd.f32 v12, v10;
	v3 =	vld [tilespmem:s19+$0x10070]  }
0xf1: {  	[tilespmem:s19+$0x10040] =	vst v9;
	v7 =	vadd.f32 v7, v1;
	v9 =	vld [tilespmem:s19+$0x13270]  }
0xf2: {  	[tilespmem:s19+$0x13240] =	vst v8;
	v1 =	vadd.f32 v6, v1  }
0xf3: {  	[tilespmem:s19+$0x10050] =	vst v7;
	v4 =	vadd.f32 v4, v0  }
0xf4: {  	[tilespmem:s19+$0x13250] =	vst v1;
	v0 =	vadd.f32 v5, v0  }
0xf5: {  	[tilespmem:s19+$0x10060] =	vst v4;
	v1 =	vadd.f32 v3, v2  }
0xf6: {  	[tilespmem:s19+$0x13260] =	vst v0;
	v0 =	vadd.f32 v9, v2  }
0xf7: {  	s10 =	sadd.s32 @!p0 s7, s14;
	[tilespmem:s19+$0x10070] =	vst v1  }
0xf8: {  	s11 =	sadd.s32 $0x1900, s9;
	s10 =	smul.u32 @!p0 $0x32, s10;
	[tilespmem:s19+$0x13270] =	vst v0  }
0xf9: {  	[hbm4b:s11+s3] =	stream.linear.scatter [tilespmem:s31], [sflag:$0xB], $0x6400, $0x38;
	[tilespmem:$0x1C840] =	vst v63  }
0xfa: {  	s10 =	sadd.s32 @!p0 s5, s10;
	s19 =	simm.s32 @!p0 $0x320;
	s11 =	simm.s32 @!p0 $0x0  }
0xfb: {  	[tilespmem:s19], [sflag:$0x3] =	stream.linear.gather @!p0 [hbm4b:s10+s11], $0x190, $0x38;
	[tilespmem:$0x1C840] =	vst v63  }
0xfc: {  	_ =	swait.ge [sflag:s0], $0x6400  }
0xfd: {  	[sflag:s0] =	ssyncset.done $0x0  }
0xfe: {  	s19 =	simm.s32 $0x0;
	[sflag:s0] =	ssyncadd.s32 $0xFFFF9C00  }
0xff: {  	v3 =	vld [tilespmem:s19+$0x640]  }
0x100: {  	v1 =	vld [tilespmem:s19+$0x650]  }
0x101: {  	v0 =	vld [tilespmem:s19+$0x660]  }
0x102: {  	v2 =	vld [tilespmem:s19+$0x670]  }
0x103: {  	v8 =	vld [tilespmem:s19+$0x16440]  }
0x104: {  	v10 =	vld [tilespmem:s19+$0x19640]  }
0x105: {  	v7 =	vld [tilespmem:s19+$0x16450]  }
0x106: {  	v6 =	vld [tilespmem:s19+$0x19650]  }
0x107: {  	v4 =	vld [tilespmem:s19+$0x16460]  }
0x108: {  	v5 =	vld [tilespmem:s19+$0x19660];
	v9 =	vadd.f32 v8, v3  }
0x109: {  	s10 =	simm.s32 $0x100;
	v8 =	vadd.f32 v10, v3;
	v3 =	vld [tilespmem:s19+$0x16470]  }
.LBB2_9:
0x10a: {  	s11 =	sshra.s32 s10, $0x2;
	p1 =	sne.s32 s10, $0xC700;
	[tilespmem:s19+$0x16440] =	vst v9;
	v7 =	vadd.f32 v7, v1;
	v9 =	vld [tilespmem:s19+$0x19670]  }
0x10b: {  	v10 =	vld [tilespmem:s11+$0x640];
	[tilespmem:s19+$0x19640] =	vst v8;
	v6 =	vadd.f32 v6, v1  }
0x10c: {  	v1 =	vld [tilespmem:s11+$0x650];
	[tilespmem:s19+$0x16450] =	vst v7;
	v4 =	vadd.f32 v4, v0  }
0x10d: {  	[tilespmem:s19+$0x19650] =	vst v6;
	v5 =	vadd.f32 v5, v0;
	v0 =	vld [tilespmem:s11+$0x660]  }
0x10e: {  	v8 =	vld [tilespmem:s11+$0x670];
	[tilespmem:s19+$0x16460] =	vst v4;
	v3 =	vadd.f32 v3, v2  }
0x10f: {  	v11 =	vld [tilespmem:s11+$0x16440];
	[tilespmem:s19+$0x19660] =	vst v5;
	v2 =	vadd.f32 v9, v2  }
0x110: {  	v12 =	vld [tilespmem:s11+$0x19640];
	[tilespmem:s19+$0x16470] =	vst v3  }
.Ltmp5:
0x111: {  	v7 =	vld [tilespmem:s11+$0x16450];
	[tilespmem:s19+$0x19670] =	vst v2;
	s19 =	smov.u32 s11;
	(pc) =	sbr.rel @p1 .LBB2_9-.Ltmp5, $4  }
0x112: {  	v6 =	vld [tilespmem:s19+$0x19650]  }
0x113: {  	v4 =	vld [tilespmem:s19+$0x16460];
	v2 =	vmov v8  }
0x114: {  	v9 =	vadd.f32 v11, v10;
	v5 =	vld [tilespmem:s19+$0x19660]  }
0x115: {  	s10 =	sadd.s32 $0x100, s10;
	v8 =	vadd.f32 v12, v10;
	v3 =	vld [tilespmem:s19+$0x16470]  }
0x116: {  	[tilespmem:s19+$0x16440] =	vst v9;
	v7 =	vadd.f32 v7, v1;
	v59 =	vld [tilespmem:s19+$0x19670]  }
0x117: {  	[tilespmem:s19+$0x19640] =	vst v8;
	v60 =	vadd.f32 v6, v1  }
0x118: {  	[tilespmem:s19+$0x16450] =	vst v7;
	v4 =	vadd.f32 v4, v0  }
0x119: {  	[tilespmem:s19+$0x19650] =	vst v60;
	v61 =	vadd.f32 v5, v0  }
.Ltmp6:
0x11a: {  	[tilespmem:s19+$0x16460] =	vst v4;
	v62 =	vadd.f32 v3, v2;
	(pc) =	sbr.rel @p0 .LBB2_12-.Ltmp6, $4  }
0x11b: {  	[tilespmem:s19+$0x19660] =	vst v61;
	v63 =	vadd.f32 v59, v2  }
0x11c: {  	[tilespmem:s19+$0x16470] =	vst v62  }
0x11d: {  	s9 =	sadd.s32 $0x2580, s9;
	[tilespmem:s19+$0x19670] =	vst v63  }
0x11e: {  	[hbm4b:s9+s3] =	stream.linear.scatter [tilespmem:s20], [sflag:$0xC], $0x6400, $0x38;
	[tilespmem:$0x1C840] =	vst v63  }
.Ltmp7:
0x11f: {  	s7 =	sadd.s32 s7, s15;
	(pc) =	sbr.rel .LBB2_2-.Ltmp7, $3  }
0x120: {  	s7 =	smul.u32 $0x32, s7;
	_ =	sdelay $0x1  }
0x121: {  	s1 =	sadd.s32 $0x1, s1;
	s7 =	sadd.s32 s5, s7  }
0x122: {  	[tilespmem:s21], [sflag:$0x4] =	stream.linear.gather [hbm4b:s7+s3], $0x190, $0x38;
	[tilespmem:$0x1C840] =	vst v63  }
.LBB2_13:
0x123: {  	_ =	sfence.sel $0x180000  }
0x124: {  	[bflag:$0x0] =	sbarrier.arrive $0xFFFF  }
0x125: {  	_ =	strace $0x90000047  }
0x126: {  	s0 =	stileid.u32;
	[bflag:$0x2] =	sbarrier.arrive $0xFFFF  }
0x127: {  	p0 =	sne.s32 s0, $0x0;
	s0 =	rddreg [dreg:$0x2]  }
0x128: {  	s0 =	sadd.s32 @!p0 $0x100000, s0  }
0x129: {  	[sflag:s0] =	ssyncadd.tile.s32 @!p0 $0x1;
	_ =	shalt  }
.Lfunc_end2:
_tile_overlayer_lowered:
.L_overlay_start_2:
0x12a: {  	(tag) =	ssettag $0x2  }
0x12b: {  	s0 =	rddreg [dreg:$0x0];
	s2 =	stileid.u32  }
0x12c: {  	s1 =	rddreg [dreg:$0x1];
	p0 =	sne.s32 s2, $0x0  }
0x12d: {  	s3 =	rddreg [dreg:$0x2];
	[bflag:$0x3] =	sbarrier.arrive $0xFFFF;
	s2 =	simm.s32 @!p0 $0x1C0D  }
0x12e: {  	[timem:s3], [sflag:s2] =	dma.local @!p0 [hbm:s0], s1  }
0x12f: {  	s0 =	simm.s32 @!p0 $0xD  }
0x130: {  	_ =	swait.ge @!p0 [sflag:s0], s1  }
0x131: {  	s1 =	ssub.s32 @!p0 $0x0, s1;
	[sflag:s0] =	ssyncset.done @!p0 $0x0  }
0x132: {  	[sflag:s0] =	ssyncadd.s32 @!p0 s1  }
0x133: {  	[bflag:$0x3] =	sbarrier.arrive $0xFFFF  }
0x134: {  	_ =	shalt  }

// kernel: sparse-core-data-format-call.cloned.1.call-start
scs
called_computation_lowered:
.L_overlay_start_0:
0x0: {  	s2 =	sld [smem:$0x3FD9]  }
0x1: {  	s3 =	sld [smem:$0x3FFE];
	_ =	sdelay $0x1  }
0x2: {  	s1 =	srdreg.scid  }
0x3: {  	s0 =	sand.u32 $0x1, s1  }
0x4: {  	s18 =	sshll.u32 s0, $0xA;
	s2 =	sadd.s32 s3, s2  }
0x5: {  	s2 =	sadd.s32 s2, s18  }
0x6: {  	[smem:$0x3FC5] =	sst s2  }
0x7: {  	_ = 	snop  }
0x8: {  	s2 =	sld [smem:$0x3FD0];
	(tm) =	ssettm $0x1  }
0x9: {  	s19 =	sld [smem:$0x3FFB];
	_ =	sdelay $0x3  }
0xa: {  	_ =	strace s19  }
0xb: {  	s3 =	sld [smem:$0x3FFC];
	_ =	sdelay $0x3  }
0xc: {  	_ =	strace s3  }
0xd: {  	s3 =	sld [smem:$0x3FFD];
	_ =	sdelay $0x3  }
0xe: {  	_ =	strace s3  }
0xf: {  	_ =	strace $0x8FFFFFFF  }
0x10: {  	s20 =	sld [smem:$0x3FDB];
	_ =	sdelay $0x1  }
0x11: {  	s4 =	simm.s32 $_scs_section_size  }
0x12: {  	s5 =	simm.s32 $_size__tile_overlayer_lowered;
	s6 =	simm.s32 $_tile_overlayer_lowered  }
0x13: {  	s23 =	simm.s32 $0x1BFF;
	s22 =	sshll.u32 s6, $0x1;
	s3 =	sadd.s32 s4, s20  }
0x14: {  	s7 =	simm.s32 $0x0;
	s21 =	sshll.u32 s5, $0x1;
	s5 =	sadd.s32 s22, s3  }
0x15: {  	[timem:s7], [sflag:s23] =	dma.local [hbm:s5], s21  }
0x16: {  	_ =	swait.ge [sflag:s23], s21  }
0x17: {  	s4 =	ssub.s32 $0x0, s21;
	[sflag:s23] =	ssyncset.done $0x0  }
0x18: {  	[sflag:s23] =	ssyncadd.s32 s4;
	_ =	sdelay $0x1  }
0x19: {  	s24 =	simm.s32 $0x1B8B  }
0x1a: {  	_ =	swait.ge [sflag:s24], $0x1  }
0x1b: {  	[sflag:s24] =	ssyncset.done $0x0  }
0x1c: {  	s26 =	simm.s32 $0x1B8E;
	s25 =	sld [smem:$0x3FFE];
	[sflag:s24] =	ssyncadd.s32 $0xFFFFFFFF  }
0x1d: {  	s27 =	simm.s32 $execute0_lowered;
	[smem:$0x3FD2] =	sst s26  }
0x1e: {  	s5 =	sshll.u32 s27, $0x1;
	_ =	strace $0x80000049;
	[dreg:$0x1] =	wrdreg $0xFFFFFFFF  }
0x1f: {  	s28 =	simm.s32 $_size_execute0_lowered;
	s3 =	sadd.s32 s3, s5;
	[dreg:$0x0] =	wrdreg $0x0  }
0x20: {  	s5 =	sshll.u32 s28, $0x1;
	[dreg:$0x2] =	wrdreg s3  }
0x21: {  	[dreg:$0x3] =	wrdreg s5  }
0x22: {  	[dreg:$0x4] =	wrdreg $0xC0  }
0x23: {  	_ =	task [dreg:s7], $0x5FFFF  }
0x24: {  	[dreg:$0x1] =	wrdreg $0xFFFFFFFF  }
0x25: {  	[dreg:$0x0] =	wrdreg $0x60  }
0x26: {  	[dreg:$0x2] =	wrdreg s25  }
0x27: {  	[dreg:$0x3] =	wrdreg s2  }
0x28: {  	[dreg:$0x4] =	wrdreg $0x9  }
0x29: {  	_ =	task.clear_ibuf [dreg:s7], $0x5FFFF;
	_ =	strace $0x90000049  }
0x2a: {  	s29 =	simm.s32 $0x9;
	_ =	strace $0x8000004B  }
0x2b: {  	_ =	swait.ge [sflag:s29], $0x1  }
0x2c: {  	[sflag:s29] =	ssyncadd.s32 $0xFFFFFFFF  }
0x2d: {  	_ =	strace $0x9000004B  }
0x2e: {  	_ =	sfence  }
0x2f: {  	s30 =	sld [smem:$0x0];
	_ =	sdelay $0x2  }
0x30: {  	s31 =	sshll.u32 s1, $0xD;
	s1 =	sshrl.u32 s1, $0x2  }
0x31: {  	s3 =	sand.u32 $0x4000, s31;
	s1 =	sadd.s32 s1, s30  }
0x32: {  	s0 =	sor.u32 s3, s0;
	s1 =	sshll.u32 s1, $0x11  }
0x33: {  	s0 =	sor.u32 s1, s0  }
0x34: {  	s0 =	sadd.s32 $0x8F2B, s0  }
0x35: {  	[sflag:s0] =	ssyncadd.remote.s32 $0x1  }
0x36: {  	_ =	sfence.sel $0xFFFF  }
0x37: {  	[dreg:$0x0] =	wrdreg $0xFFFFFFFF;
	(pc) =	sbr.abs _section_cstart, $3  }
0x38: {  	[dreg:$0x1] =	wrdreg $0xFFFFFFFF  }
0x39: {  	_ =	task.clear_ibuf [dreg:s7], $0x2FFFF;
	_ =	strace $0x9FFFFFFF  }
0x3a: {  	(tm) =	ssettm $0x7FFFFFFF  }
0x3b: {  	_ =	shalt  }
tec
execute0_lowered:
.L_overlay_start_1:
0x0: {  	(tag) =	ssettag $0x1  }
0x1: {  	s0 =	srdreg.scid  }
0x2: {  	s1 =	sshll.u32 s0, $0x4  }
0x3: {  	s0 =	stileid.u32;
	s1 =	sand.u32 $0x10, s1  }
0x4: {  	s1 =	sor.u32 s0, s1  }
0x5: {  	s6 =	rddreg [dreg:$0x0];
	s4 =	simm.s32 $0x1;
	s2 =	sshll.u32 s1, $0x7  }
0x6: {  	s7 =	simm.s32 $0x2;
	s12 =	simm.s32 $0x0;
	s1 =	ssub.s32 $0x1000, s2  }
0x7: {  	s8 =	simm.s32 $0x8000;
	s13 =	simm.s32 $0x0;
	s3 =	sand.u32 $0xF80, s1  }
0x8: {  	s9 =	simm.s32 $0x0;
	s5 =	sshrl.u32 s1, $0xC;
	p0 =	sne.s32 s3, $0x0  }
.Ltmp0:
0x9: {  	s1 =	rddreg [dreg:$0x2];
	s4 =	simm.s32 @!p0 $0x0;
	(pc) =	sbr.rel .LBB1_1-.Ltmp0, $4  }
0xa: {  	s11 =	simm.s32 $0x0;
	s3 =	rddreg [dreg:$0x1];
	s5 =	sadd.s32 s4, s5  }
0xb: {  	_ =	strace $0x8000004A;
	s4 =	simm.s32 $0x1;
	s5 =	smul.u32 $0xC8, s5  }
0xc: {  	s6 =	sadd.s32 $0xC00, s6;
	s10 =	smov.u32 s2;
	[sflag:s4] =	ssyncpa.u1 $0x0  }
0xd: {  	p0 =	por $0x0, $0x0;
	[sflag:s7] =	ssyncpa.u1 $0x0;
	s7 =	sor.u32 $0x1, s5  }
.LBB1_4:
0xe: {  	s16 =	sshll.u32 s13, $0x3;
	s17 =	sand.u32 $0x78, s13  }
0xf: {  	s30 =	sand.u32 $0x7E00, s13;
	s12 =	sshll.u32 s12, $0xF;
	s16 =	sand.u32 $0xC00, s16  }
0x10: {  	[tilespmem:s15+$0x810 ss:$0x81] =	vst.msk $0xffff, v2;
	s31 =	sand.u32 $0x7, s13;
	s16 =	sor.u32 s17, s16;
	s17 =	sadd.s32 s3, s30  }
0x11: {  	[tilespmem:s15+$0x1020 ss:$0x81] =	vst.msk $0xffff, v0;
	s13 =	sshll.u32 s31, $0x12;
	s12 =	sadd.s32 s12, s17;
	s16 =	sshrl.u32 s16, $0x3  }
0x12: {  	[tilespmem:s15+$0x0 ss:$0x81] =	vst.msk $0xffff, v1;
	s13 =	sor.u32 $0x400, s13;
	s12 =	sadd.s32 s16, s12  }
0x13: {  	[hbm4b:s12+s13] =	stream.strided.scatter [tilespmem:s14], [sflag:$0x2], $0x2000, s8, s13, $0x20;
	[tilespmem:$0x8080] =	vst v63  }
.LBB1_5:
0x14: {  	s14 =	sadd.s32 $0x1, s9  }
0x15: {  	s12 =	sadd.s32 $0x1000, s10;
	s16 =	smov.u32 s10;
	p2 =	sgt.s32 s14, $0xC7  }
0x16: {  	s16 =	smov.u32 @p2 s12  }
0x17: {  	s14 =	simm.s32 @p2 $0x0;
	p2 =	sgt.s32 s16, $0xFFF  }
0x18: {  	s16 =	smov.u32 @p2 s2;
	p2 =	sne.s32 s11, s7  }
.Ltmp1:
0x19: {  	p1 =	slt.u32 s11, $0x2;
	(pc) =	sbr.rel @!p2 .LBB1_6-.Ltmp1, $4  }
0x1a: {  	s15 =	simm.s32 @!p1 $0x2  }
0x1b: {  	s13 =	smov.u32 s10;
	p0 =	por !p0, !p0;
	_ =	swait.ge @!p1 [sflag:s15], $0x2000  }
0x1c: {  	s12 =	smov.u32 s9;
	[sflag:s15] =	ssyncset.done @!p1 $0x0;
	s9 =	smov.u32 s14  }
0x1d: {  	s11 =	sadd.s32 $0x1, s11;
	[sflag:s15] =	ssyncadd.s32 @!p1 $0xFFFFE000;
	s10 =	smov.u32 s16  }
.LBB1_1:
0x1e: {  	p1 =	sge.u32 s11, s5  }
0x1f: {  	s14 =	sand.u32 @!p1 $0x1FFFFFF, s9  }
0x20: {  	s15 =	smulhi.u32 @!p1 $0x147AE15, s14;
	_ =	sdelay $0x1  }
0x21: {  	s15 =	smul.u32 @!p1 $0xC8, s15  }
0x22: {  	s16 =	sxor.u32 @!p1 $0xFFFFFFFF, s11;
	s17 =	smul.u32 @!p1 $0xC80, s10  }
0x23: {  	s31 =	sadd.s32 $0xFFFFFFFF, s11;
	s16 =	sshll.u32 @!p1 s16, $0xD;
	s14 =	ssub.s32 @!p1 s14, s15  }
0x24: {  	s15 =	sand.u32 @!p1 $0x2000, s16;
	s16 =	sadd.s32 @!p1 s6, s17;
	s14 =	sshll.u32 @!p1 s14, $0x4  }
0x25: {  	s17 =	simm.s32 @!p1 $0x6400;
	s14 =	sadd.s32 @!p1 s14, s16;
	s16 =	simm.s32 @!p1 $0x40  }
0x26: {  	[tilespmem:s15], [sflag:$0x1] =	stream.strided.gather @!p1 [hbm4b:s14+s16], $0x2000, s17, s16, $0x38;
	[tilespmem:$0x8080] =	vst v63  }
0x27: {  	p1 =	sge.u32 s31, s5  }
.Ltmp2:
0x28: {  	_ = 	snop;
	(pc) =	sbr.rel @p1 .LBB1_5-.Ltmp2, $1  }
0x29: {  	_ =	sdelay $0x3  }
0x2a: {  	s14 =	simm.s32 $0x1  }
0x2b: {  	_ =	swait.ge [sflag:s4], $0x2000;
	s14 =	simm.s32 @!p0 $0x0  }
0x2c: {  	[sflag:s4] =	ssyncset.done $0x0;
	s15 =	sshll.u32 s14, $0xD  }
0x2d: {  	[sflag:s4] =	ssyncadd.s32 $0xFFFFE000;
	s18 =	sor.u32 $0x20, s15  }
0x2e: {  	s14 =	smul.u32 $0x8100, s14;
	v3 =	vld [tilespmem:s18+$0x10]  }
0x2f: {  	s30 =	sand.u32 $0x1, s11;
	v2 =	vld [tilespmem:s18+$0xFFFFFFF0]  }
0x30: {  	s15 =	smul.u32 $0x8100, s30;
	s14 =	sshrl.u32 s14, $0x2;
	v0 =	vld [tilespmem:s18+$0x0]  }
0x31: {  	v1 =	vld [tilespmem:s18+$0xFFFFFFE0];
	s16 =	sor.u32 $0x4000, s14  }
0x32: {  	s31 =	sshrl.u32 s15, $0x2;
	s15 =	sadd.s32 $0x0, s16  }
0x33: {  	s17 =	simm.s32 $0x4;
	s18 =	sadd.s32 $0x40, s18;
	s14 =	sor.u32 $0x4000, s31;
	[tilespmem:s15+$0x1830 ss:$0x81] =	vst.msk $0xffff, v3  }
.LBB1_3:
0x34: {  	v3 =	vld [tilespmem:s18+$0x10];
	p1 =	sne.s32 s17, $0x1FC;
	[tilespmem:s15+$0x810 ss:$0x81] =	vst.msk $0xffff, v2;
	s19 =	smov.u32 s17;
	s17 =	sadd.s32 $0x4, s17  }
.Ltmp3:
0x35: {  	v2 =	vld [tilespmem:s18+$0xFFFFFFF0];
	[tilespmem:s15+$0x1020 ss:$0x81] =	vst.msk $0xffff, v0;
	(pc) =	sbr.rel @p1 .LBB1_3-.Ltmp3, $4  }
0x36: {  	v0 =	vld [tilespmem:s18+$0x0];
	[tilespmem:s15+$0x0 ss:$0x81] =	vst.msk $0xffff, v1  }
0x37: {  	s15 =	sshra.s32 s19, $0x2;
	v1 =	vld [tilespmem:s18+$0xFFFFFFE0]  }
0x38: {  	s15 =	sadd.s32 s15, s16  }
0x39: {  	s18 =	sadd.s32 $0x40, s18;
	[tilespmem:s15+$0x1830 ss:$0x81] =	vst.msk $0xffff, v3  }
.Ltmp4:
0x3a: {  	_ = 	snop;
	(pc) =	sbr.rel .LBB1_4-.Ltmp4, $1  }
0x3b: {  	_ =	sdelay $0x3  }
.LBB1_6:
0x3c: {  	_ =	sfence.sel $0x180000  }
0x3d: {  	s2 =	simm.s32 $0x1;
	[bflag:$0x0] =	sbarrier.arrive $0xFFFF  }
0x3e: {  	s31 =	simm.s32 $0x2;
	[sflag:s2] =	ssyncpa.u1 $0x1  }
0x3f: {  	[sflag:s31] =	ssyncpa.u1 $0x1  }
0x40: {  	p0 =	sne.s32 s0, $0x0;
	_ =	strace $0x9000004A  }
0x41: {  	s0 =	sadd.s32 @!p0 $0x100000, s1;
	[bflag:$0x2] =	sbarrier.arrive $0xFFFF  }
0x42: {  	[sflag:s0] =	ssyncadd.tile.s32 @!p0 $0x1;
	_ =	shalt  }
.Lfunc_end1:
_tile_overlayer_lowered:
.L_overlay_start_2:
0x43: {  	(tag) =	ssettag $0x2  }
0x44: {  	s0 =	rddreg [dreg:$0x0];
	s2 =	stileid.u32  }
0x45: {  	s1 =	rddreg [dreg:$0x1];
	p0 =	sne.s32 s2, $0x0  }
0x46: {  	s3 =	rddreg [dreg:$0x2];
	[bflag:$0x3] =	sbarrier.arrive $0xFFFF;
	s2 =	simm.s32 @!p0 $0x1C01  }
0x47: {  	[timem:s3], [sflag:s2] =	dma.local @!p0 [hbm:s0], s1  }
0x48: {  	s0 =	simm.s32 @!p0 $0x1  }
0x49: {  	_ =	swait.ge @!p0 [sflag:s0], s1  }
0x4a: {  	s1 =	ssub.s32 @!p0 $0x0, s1;
	[sflag:s0] =	ssyncset.done @!p0 $0x0  }
0x4b: {  	[sflag:s0] =	ssyncadd.s32 @!p0 s1  }
0x4c: {  	[bflag:$0x3] =	sbarrier.arrive $0xFFFF  }
0x4d: {  	_ =	shalt  }

</sc_bundles>
